<compile_context>
chip_gen: v7x
topology: tpu7x:2x2x1
jax: 0.10.2.dev20260603
libtpu: 0.0.44.dev20260713+nightly
codegen_flags: <defaults>
</compile_context>

<pallas_src>
import functools

import jax
import jax.numpy as jnp
from jax import lax
from jax.experimental import pallas as pl
from jax.experimental.pallas import tpu as pltpu
from jax.experimental.pallas import tpu_sc as plsc

N = 10000
E = 320000
D = 128

NC = 2
NS = 16
NW = NC * NS

CHUNK = 128
CPW = 80
EP = NW * CPW * CHUNK
NZ = 10240
RPT = NZ // NS

_MESH = plsc.VectorSubcoreMesh(core_axis_name="c", subcore_axis_name="s")



@functools.partial(
    pl.kernel,
    mesh=_MESH,
    out_type=jax.ShapeDtypeStruct((NC, NZ, D), jnp.float32),
    scratch_types=[
        pltpu.VMEM((CPW, CHUNK), jnp.int32),
        pltpu.VMEM((CHUNK, D), jnp.float32),
        pltpu.VMEM_SHARED((NZ, D), jnp.float32),
    ],
)
def _deg_kernel(dst_hbm, out_hbm, dst_v, ones_v, deg_sh):
    c = lax.axis_index("c")
    s = lax.axis_index("s")
    wid = s * NC + c

    def fill(val):
        def frow(i, carry):
            for l in range(D // 16):
                ones_v[i, pl.ds(l * 16, 16)] = jnp.full((16,), val,
                                                        jnp.float32)
            return carry

        lax.fori_loop(0, CHUNK, frow, None)

    fill(0.0)

    def zero_sh(i, carry):
        pltpu.sync_copy(ones_v, deg_sh.at[pl.ds(s * RPT + i * CHUNK, CHUNK)])
        return carry

    lax.fori_loop(0, RPT // CHUNK, zero_sh, None)
    fill(1.0)
    plsc.subcore_barrier()

    pltpu.sync_copy(dst_hbm.at[pl.ds(wid * CPW, CPW)], dst_v)

    def body(j, carry):
        pltpu.sync_copy(ones_v, deg_sh.at[dst_v.at[j]], add=True)
        return carry

    lax.fori_loop(0, CPW, body, None)
    plsc.subcore_barrier()
    pltpu.sync_copy(deg_sh.at[pl.ds(s * RPT, RPT)],
                    out_hbm.at[c, pl.ds(s * RPT, RPT)])


SUP = 8
NCH = EP // CHUNK
CPT = NCH // NS



@functools.partial(
    pl.kernel,
    mesh=_MESH,
    out_type=jax.ShapeDtypeStruct((NZ, D), jnp.float32),
    scratch_types=[
        pltpu.VMEM((SUP, CHUNK), jnp.int32),
        pltpu.VMEM((SUP, CHUNK), jnp.int32),
        pltpu.VMEM((CHUNK, D), jnp.float32),
        pltpu.VMEM((CHUNK, D), jnp.float32),
        pltpu.VMEM_SHARED((NZ, D), jnp.float32),
        pltpu.SemaphoreType.DMA,
        pltpu.SemaphoreType.DMA,
    ],
)
def _edge_kernel(src_hbm, dst_hbm, y_hbm, out_hbm,
                 src_v, dst_v, rows_a, rows_b, z_sh, sem_a, sem_b):
    c = lax.axis_index("c")
    s = lax.axis_index("s")

    def gather(j, buf, sem):
        return pltpu.make_async_copy(y_hbm.at[src_v.at[j]], buf, sem)

    def group(g, carry):
        base = s * CPT + g * SUP
        pltpu.sync_copy(src_hbm.at[pl.ds(base, SUP)], src_v)
        pltpu.sync_copy(dst_hbm.at[pl.ds(base, SUP)], dst_v)
        gather(0, rows_a, sem_a).start()
        gather(1, rows_b, sem_b).start()

        def body(i, carry2):
            j0 = 2 * i
            j1 = 2 * i + 1
            gather(j0, rows_a, sem_a).wait()
            pltpu.sync_copy(rows_a, z_sh.at[dst_v.at[j0]], add=True)

            @pl.when(j0 + 2 < SUP)
            def _():
                gather(j0 + 2, rows_a, sem_a).start()

            gather(j1, rows_b, sem_b).wait()
            pltpu.sync_copy(rows_b, z_sh.at[dst_v.at[j1]], add=True)

            @pl.when(j1 + 2 < SUP)
            def _():
                gather(j1 + 2, rows_b, sem_b).start()

            return carry2

        lax.fori_loop(0, SUP // 2, body, None)
        return carry

    @pl.when(c == 0)
    def _():
        def zrow(i, carry):
            for l in range(D // 16):
                rows_a[i, pl.ds(l * 16, 16)] = jnp.zeros((16,), jnp.float32)
            return carry

        lax.fori_loop(0, CHUNK, zrow, None)

        def zero_sh(i, carry):
            pltpu.sync_copy(rows_a,
                            z_sh.at[pl.ds(s * RPT + i * CHUNK, CHUNK)])
            return carry

        lax.fori_loop(0, RPT // CHUNK, zero_sh, None)
        plsc.subcore_barrier()
        lax.fori_loop(0, CPT // SUP, group, None)
        plsc.subcore_barrier()
        pltpu.sync_copy(z_sh.at[pl.ds(s * RPT, RPT)],
                        out_hbm.at[pl.ds(s * RPT, RPT)])



BM = 320
GB = NZ // BM
BMO = 400
GBO = N // BMO


def _mm1_body(degp_ref, x_ref, w_ref, y_ref, dinv_ref):
    degp = degp_ref[...]
    deg = degp[0, :, 0] + degp[1, :, 0] + 1.0
    dinv = lax.rsqrt(deg)
    xw = jnp.dot(x_ref[...], w_ref[...], preferred_element_type=jnp.float32)
    y_ref[...] = xw * dinv[:, None]
    dinv_ref[...] = dinv[:, None]


def _mm2_body(zp_ref, y1_ref, dinv_ref, b1_ref, w2_ref, y2_ref):
    dinv = dinv_ref[...]
    t = (zp_ref[...] + y1_ref[...]) * dinv + b1_ref[...]
    h = jnp.maximum(t, 0.0)
    y2_ref[...] = jnp.dot(h, w2_ref[...],
                          preferred_element_type=jnp.float32) * dinv


def _out_body(zp_ref, y2_ref, dinv_ref, b2_ref, o_ref):
    o_ref[...] = (zp_ref[...] + y2_ref[...]) * dinv_ref[...] + b2_ref[...]


_mm1 = pl.pallas_call(
    _mm1_body,
    grid=(GB,),
    in_specs=[
        pl.BlockSpec((NC, BM, D), lambda i: (0, i, 0)),
        pl.BlockSpec((BM, D), lambda i: (i, 0)),
        pl.BlockSpec((D, D), lambda i: (0, 0)),
    ],
    out_specs=[
        pl.BlockSpec((BM, D), lambda i: (i, 0)),
        pl.BlockSpec((BM, 1), lambda i: (i, 0)),
    ],
    out_shape=[
        jax.ShapeDtypeStruct((NZ, D), jnp.float32),
        jax.ShapeDtypeStruct((NZ, 1), jnp.float32),
    ],
)

_mm2 = pl.pallas_call(
    _mm2_body,
    grid=(GB,),
    in_specs=[
        pl.BlockSpec((BM, D), lambda i: (i, 0)),
        pl.BlockSpec((BM, D), lambda i: (i, 0)),
        pl.BlockSpec((BM, 1), lambda i: (i, 0)),
        pl.BlockSpec((1, D), lambda i: (0, 0)),
        pl.BlockSpec((D, D), lambda i: (0, 0)),
    ],
    out_specs=pl.BlockSpec((BM, D), lambda i: (i, 0)),
    out_shape=jax.ShapeDtypeStruct((NZ, D), jnp.float32),
)

_out = pl.pallas_call(
    _out_body,
    grid=(GBO,),
    in_specs=[
        pl.BlockSpec((BMO, D), lambda i: (i, 0)),
        pl.BlockSpec((BMO, D), lambda i: (i, 0)),
        pl.BlockSpec((BMO, 1), lambda i: (i, 0)),
        pl.BlockSpec((1, D), lambda i: (0, 0)),
    ],
    out_specs=pl.BlockSpec((BMO, D), lambda i: (i, 0)),
    out_shape=jax.ShapeDtypeStruct((N, D), jnp.float32),
)


def kernel(x, edge_index, W1, b1, W2, b2):
    src = edge_index[0]
    dst = edge_index[1]
    pad = EP - E
    x_p = jnp.concatenate([x, jnp.zeros((NZ - N, D), jnp.float32)])
    src_fill = (jnp.arange(pad, dtype=jnp.int32) * 131) % N
    src_p = jnp.concatenate([src, src_fill]).reshape(EP // CHUNK, CHUNK)
    dump = N + jnp.arange(pad, dtype=jnp.int32) % (NZ - N)
    dst_p = jnp.concatenate([dst, dump]).reshape(EP // CHUNK, CHUNK)

    degp = _deg_kernel(dst_p)
    y1, dinv = _mm1(degp, x_p, W1)
    z1 = _edge_kernel(src_p, dst_p, y1)
    y2 = _mm2(z1, y1, dinv, b1.reshape(1, D), W2)
    z2 = _edge_kernel(src_p, dst_p, y2)
    return _out(z2, y2, dinv, b2.reshape(1, D))

# --- scband reference (transcript-rebuilt; emitter-appended) ---
"""Pipeline reference for scband-gcn-69475390980199 (READ-ONLY COPY).

The authoritative reference and input builder live on the scoring server;
editing this copy changes nothing except your own understanding.
"""

import jax, jax.numpy as jnp
import numpy as np

N = 10000
E = 320000
D_IN = 128
D_HID = 128
D_OUT = 128


def setup_inputs(seed: int = 0) -> dict:
    key = jax.random.key(seed)
    k1, k2, k3, k4 = jax.random.split(key, 4)
    x = jax.random.normal(k1, (N, D_IN), dtype=jnp.float32)
    edge_index = jax.random.randint(k2, (2, E), 0, N, dtype=jnp.int32)
    W1 = jax.random.normal(k3, (D_IN, D_HID), dtype=jnp.float32) * (1.0 / np.sqrt(D_IN))
    b1 = jnp.zeros((D_HID,), dtype=jnp.float32)
    W2 = jax.random.normal(k4, (D_HID, D_OUT), dtype=jnp.float32) * (1.0 / np.sqrt(D_HID))
    b2 = jnp.zeros((D_OUT,), dtype=jnp.float32)
    return {"x": x, "edge_index": edge_index, "W1": W1, "b1": b1, "W2": W2, "b2": b2}


def _gcn_conv(x, edge_index, W, b):
    # Faithful GCNConv: add self-loops, symmetric normalization D^-1/2 (A+I) D^-1/2 X W + b
    n = x.shape[0]
    loop = jnp.arange(n, dtype=edge_index.dtype)
    src = jnp.concatenate([edge_index[0], loop])
    dst = jnp.concatenate([edge_index[1], loop])
    xw = x @ W
    deg = jnp.zeros((n,), dtype=xw.dtype).at[dst].add(1.0)
    deg_inv_sqrt = jnp.where(deg > 0, deg ** -0.5, 0.0)
    norm = deg_inv_sqrt[src] * deg_inv_sqrt[dst]
    msgs = xw[src] * norm[:, None]
    out = jnp.zeros_like(xw).at[dst].add(msgs)
    return out + b


def reference(x, edge_index, W1, b1, W2, b2):
    h = _gcn_conv(x, edge_index, W1, b1)
    h = jax.nn.relu(h)
    out = _gcn_conv(h, edge_index, W2, b2)
    return out

if __name__ == "__main__":
    import jax
    _d = setup_inputs()
    print(jax.jit(kernel)(*tuple(_d.values())))

</pallas_src>

<mosaic_0001>
#map = affine_map<(d0, d1) -> (0, 0)>
#map1 = affine_map<(d0, d1) -> (0, 0, 0)>
module attributes {stable_mosaic.version = 14 : i64} {
  func.func @_deg_kernel(%arg0: i32, %arg1: i32, %arg2: memref<2560x128xi32, #tpu.memory_space<hbm>>, %arg3: memref<2x10240x128xf32, #tpu.memory_space<hbm>>, %arg4: memref<80x128xi32, #tpu.memory_space<vmem>>, %arg5: memref<128x128xf32, #tpu.memory_space<vmem>>, %arg6: memref<10240x128xf32, #tpu.memory_space<vmem_shared>>) attributes {dimension_semantics = [#tpu.dimension_semantics<core_parallel>, #tpu.dimension_semantics<subcore_parallel>], iteration_bounds = array<i64: 2, 16>, scalar_prefetch = 0 : i64, scratch_operands = 3 : i64, tpu.core_type = #tpu.core_type<sc_vector_subcore>, window_params = [{transform_indices = #map}, {transform_indices = #map1}]} {
    %mul3A = arith.constant 2 : i32
    %mul3A_0 = arith.muli %arg1, %mul3A : i32
    %add3A = arith.addi %mul3A_0, %arg0 : i32
    %scan3A = arith.constant 0 : i32
    %scan3A_1 = arith.constant 128 : i32
    %scan3A_2 = arith.addi %scan3A, %scan3A_1 : i32
    %scan3A_3 = arith.constant 1 : i32
    scf.for %scan3A_27 = %scan3A to %scan3A_2 step %scan3A_3  : i32 {
      %broadcast_in_dim3A = arith.constant 0.000000e+00 : f32
      %broadcast_in_dim3A_28 = vector.broadcast %broadcast_in_dim3A : f32 to vector<16xf32>
      %swap3A = arith.index_cast %scan3A_27 : i32 to index
      %swap3A_29 = arith.constant 0 : index
      %swap3A_30 = tpu.vector_load %arg5[%swap3A, %swap3A_29] {strides = array<i32>} : memref<128x128xf32, #tpu.memory_space<vmem>>, vector<1x16xf32>,
      %swap3A_31 = vector.shape_cast %swap3A_30 : vector<1x16xf32> to vector<16xf32>
      %swap3A_32 = vector.shape_cast %broadcast_in_dim3A_28 : vector<16xf32> to vector<1x16xf32>
      tpu.vector_store %arg5[%swap3A, %swap3A_29], %swap3A_32 {strides = array<i32>} : memref<128x128xf32, #tpu.memory_space<vmem>>, vector<1x16xf32>,
      %broadcast_in_dim3A_33 = arith.constant 0.000000e+00 : f32
      %broadcast_in_dim3A_34 = vector.broadcast %broadcast_in_dim3A_33 : f32 to vector<16xf32>
      %swap3A_35 = arith.index_cast %scan3A_27 : i32 to index
      %swap3A_36 = arith.constant 16 : index
      %swap3A_37 = tpu.vector_load %arg5[%swap3A_35, %swap3A_36] {strides = array<i32>} : memref<128x128xf32, #tpu.memory_space<vmem>>, vector<1x16xf32>,
      %swap3A_38 = vector.shape_cast %swap3A_37 : vector<1x16xf32> to vector<16xf32>
      %swap3A_39 = vector.shape_cast %broadcast_in_dim3A_34 : vector<16xf32> to vector<1x16xf32>
      tpu.vector_store %arg5[%swap3A_35, %swap3A_36], %swap3A_39 {strides = array<i32>} : memref<128x128xf32, #tpu.memory_space<vmem>>, vector<1x16xf32>,
      %broadcast_in_dim3A_40 = arith.constant 0.000000e+00 : f32
      %broadcast_in_dim3A_41 = vector.broadcast %broadcast_in_dim3A_40 : f32 to vector<16xf32>
      %swap3A_42 = arith.index_cast %scan3A_27 : i32 to index
      %swap3A_43 = arith.constant 32 : index
      %swap3A_44 = tpu.vector_load %arg5[%swap3A_42, %swap3A_43] {strides = array<i32>} : memref<128x128xf32, #tpu.memory_space<vmem>>, vector<1x16xf32>,
      %swap3A_45 = vector.shape_cast %swap3A_44 : vector<1x16xf32> to vector<16xf32>
      %swap3A_46 = vector.shape_cast %broadcast_in_dim3A_41 : vector<16xf32> to vector<1x16xf32>
      tpu.vector_store %arg5[%swap3A_42, %swap3A_43], %swap3A_46 {strides = array<i32>} : memref<128x128xf32, #tpu.memory_space<vmem>>, vector<1x16xf32>,
      %broadcast_in_dim3A_47 = arith.constant 0.000000e+00 : f32
      %broadcast_in_dim3A_48 = vector.broadcast %broadcast_in_dim3A_47 : f32 to vector<16xf32>
      %swap3A_49 = arith.index_cast %scan3A_27 : i32 to index
      %swap3A_50 = arith.constant 48 : index
      %swap3A_51 = tpu.vector_load %arg5[%swap3A_49, %swap3A_50] {strides = array<i32>} : memref<128x128xf32, #tpu.memory_space<vmem>>, vector<1x16xf32>,
      %swap3A_52 = vector.shape_cast %swap3A_51 : vector<1x16xf32> to vector<16xf32>
      %swap3A_53 = vector.shape_cast %broadcast_in_dim3A_48 : vector<16xf32> to vector<1x16xf32>
      tpu.vector_store %arg5[%swap3A_49, %swap3A_50], %swap3A_53 {strides = array<i32>} : memref<128x128xf32, #tpu.memory_space<vmem>>, vector<1x16xf32>,
      %broadcast_in_dim3A_54 = arith.constant 0.000000e+00 : f32
      %broadcast_in_dim3A_55 = vector.broadcast %broadcast_in_dim3A_54 : f32 to vector<16xf32>
      %swap3A_56 = arith.index_cast %scan3A_27 : i32 to index
      %swap3A_57 = arith.constant 64 : index
      %swap3A_58 = tpu.vector_load %arg5[%swap3A_56, %swap3A_57] {strides = array<i32>} : memref<128x128xf32, #tpu.memory_space<vmem>>, vector<1x16xf32>,
      %swap3A_59 = vector.shape_cast %swap3A_58 : vector<1x16xf32> to vector<16xf32>
      %swap3A_60 = vector.shape_cast %broadcast_in_dim3A_55 : vector<16xf32> to vector<1x16xf32>
      tpu.vector_store %arg5[%swap3A_56, %swap3A_57], %swap3A_60 {strides = array<i32>} : memref<128x128xf32, #tpu.memory_space<vmem>>, vector<1x16xf32>,
      %broadcast_in_dim3A_61 = arith.constant 0.000000e+00 : f32
      %broadcast_in_dim3A_62 = vector.broadcast %broadcast_in_dim3A_61 : f32 to vector<16xf32>
      %swap3A_63 = arith.index_cast %scan3A_27 : i32 to index
      %swap3A_64 = arith.constant 80 : index
      %swap3A_65 = tpu.vector_load %arg5[%swap3A_63, %swap3A_64] {strides = array<i32>} : memref<128x128xf32, #tpu.memory_space<vmem>>, vector<1x16xf32>,
      %swap3A_66 = vector.shape_cast %swap3A_65 : vector<1x16xf32> to vector<16xf32>
      %swap3A_67 = vector.shape_cast %broadcast_in_dim3A_62 : vector<16xf32> to vector<1x16xf32>
      tpu.vector_store %arg5[%swap3A_63, %swap3A_64], %swap3A_67 {strides = array<i32>} : memref<128x128xf32, #tpu.memory_space<vmem>>, vector<1x16xf32>,
      %broadcast_in_dim3A_68 = arith.constant 0.000000e+00 : f32
      %broadcast_in_dim3A_69 = vector.broadcast %broadcast_in_dim3A_68 : f32 to vector<16xf32>
      %swap3A_70 = arith.index_cast %scan3A_27 : i32 to index
      %swap3A_71 = arith.constant 96 : index
      %swap3A_72 = tpu.vector_load %arg5[%swap3A_70, %swap3A_71] {strides = array<i32>} : memref<128x128xf32, #tpu.memory_space<vmem>>, vector<1x16xf32>,
      %swap3A_73 = vector.shape_cast %swap3A_72 : vector<1x16xf32> to vector<16xf32>
      %swap3A_74 = vector.shape_cast %broadcast_in_dim3A_69 : vector<16xf32> to vector<1x16xf32>
      tpu.vector_store %arg5[%swap3A_70, %swap3A_71], %swap3A_74 {strides = array<i32>} : memref<128x128xf32, #tpu.memory_space<vmem>>, vector<1x16xf32>,
      %broadcast_in_dim3A_75 = arith.constant 0.000000e+00 : f32
      %broadcast_in_dim3A_76 = vector.broadcast %broadcast_in_dim3A_75 : f32 to vector<16xf32>
      %swap3A_77 = arith.index_cast %scan3A_27 : i32 to index
      %swap3A_78 = arith.constant 112 : index
      %swap3A_79 = tpu.vector_load %arg5[%swap3A_77, %swap3A_78] {strides = array<i32>} : memref<128x128xf32, #tpu.memory_space<vmem>>, vector<1x16xf32>,
      %swap3A_80 = vector.shape_cast %swap3A_79 : vector<1x16xf32> to vector<16xf32>
      %swap3A_81 = vector.shape_cast %broadcast_in_dim3A_76 : vector<16xf32> to vector<1x16xf32>
      tpu.vector_store %arg5[%swap3A_77, %swap3A_78], %swap3A_81 {strides = array<i32>} : memref<128x128xf32, #tpu.memory_space<vmem>>, vector<1x16xf32>,
    }
    %scan3A_4 = arith.constant 128 : i32
    %scan3A_5 = arith.constant 0 : i32
    %scan3A_6 = arith.constant 5 : i32
    %scan3A_7 = arith.addi %scan3A_5, %scan3A_6 : i32
    %scan3A_8 = arith.constant 1 : i32
    scf.for %scan3A_27 = %scan3A_5 to %scan3A_7 step %scan3A_8  : i32 {
      %mul3A_28 = arith.constant 640 : i32
      %mul3A_29 = arith.muli %arg1, %mul3A_28 : i32
      %mul3A_30 = arith.constant 128 : i32
      %mul3A_31 = arith.muli %scan3A_27, %mul3A_30 : i32
      %add3A_32 = arith.addi %mul3A_29, %mul3A_31 : i32
      "tpu.region"() ({
        %run_scoped3A = tpu.sem_alloc : memref<!tpu.dma_semaphore, #tpu.memory_space<semaphore_mem>>
        %dma_start3A = arith.constant 0 : i32
        %dma_start3A_33 = tpu.memref_slice %arg6[%add3A_32, %dma_start3A] : memref<10240x128xf32, #tpu.memory_space<vmem_shared>> -> memref<128x128xf32, #tpu.memory_space<vmem_shared>>
        %dma_start3A_34 = arith.constant 0 : i32
        %dma_start3A_35 = tpu.memref_slice %arg6[%add3A_32, %dma_start3A_34] : memref<10240x128xf32, #tpu.memory_space<vmem_shared>> -> memref<128x128xf32, #tpu.memory_space<vmem_shared>>
        tpu.enqueue_dma source(%arg5 : memref<128x128xf32, #tpu.memory_space<vmem>>) target(%dma_start3A_35 : memref<128x128xf32, #tpu.memory_space<vmem_shared>>) target_semaphore(%run_scoped3A : memref<!tpu.dma_semaphore, #tpu.memory_space<semaphore_mem>>)
        %dma_wait3A = arith.constant 0 : i32
        %dma_wait3A_36 = tpu.memref_slice %arg6[%add3A_32, %dma_wait3A] : memref<10240x128xf32, #tpu.memory_space<vmem_shared>> -> memref<128x128xf32, #tpu.memory_space<vmem_shared>>
        %dma_wait3A_37 = arith.constant 0 : i32
        %dma_wait3A_38 = tpu.memref_slice %arg6[%add3A_32, %dma_wait3A_37] : memref<10240x128xf32, #tpu.memory_space<vmem_shared>> -> memref<128x128xf32, #tpu.memory_space<vmem_shared>>
        tpu.wait_dma2 semaphore(%run_scoped3A : memref<!tpu.dma_semaphore, #tpu.memory_space<semaphore_mem>>) src(%arg5 : memref<128x128xf32, #tpu.memory_space<vmem>>) dst(%dma_wait3A_38 : memref<128x128xf32, #tpu.memory_space<vmem_shared>>)
        tpu.yield
      }) : () -> ()
    }
    %scan3A_9 = arith.constant 5 : i32
    %scan3A_10 = arith.constant 0 : i32
    %scan3A_11 = arith.constant 128 : i32
    %scan3A_12 = arith.addi %scan3A_10, %scan3A_11 : i32
    %scan3A_13 = arith.constant 1 : i32
    scf.for %scan3A_27 = %scan3A_10 to %scan3A_12 step %scan3A_13  : i32 {
      %broadcast_in_dim3A = arith.constant 1.000000e+00 : f32
      %broadcast_in_dim3A_28 = vector.broadcast %broadcast_in_dim3A : f32 to vector<16xf32>
      %swap3A = arith.index_cast %scan3A_27 : i32 to index
      %swap3A_29 = arith.constant 0 : index
      %swap3A_30 = tpu.vector_load %arg5[%swap3A, %swap3A_29] {strides = array<i32>} : memref<128x128xf32, #tpu.memory_space<vmem>>, vector<1x16xf32>,
      %swap3A_31 = vector.shape_cast %swap3A_30 : vector<1x16xf32> to vector<16xf32>
      %swap3A_32 = vector.shape_cast %broadcast_in_dim3A_28 : vector<16xf32> to vector<1x16xf32>
      tpu.vector_store %arg5[%swap3A, %swap3A_29], %swap3A_32 {strides = array<i32>} : memref<128x128xf32, #tpu.memory_space<vmem>>, vector<1x16xf32>,
      %broadcast_in_dim3A_33 = arith.constant 1.000000e+00 : f32
      %broadcast_in_dim3A_34 = vector.broadcast %broadcast_in_dim3A_33 : f32 to vector<16xf32>
      %swap3A_35 = arith.index_cast %scan3A_27 : i32 to index
      %swap3A_36 = arith.constant 16 : index
      %swap3A_37 = tpu.vector_load %arg5[%swap3A_35, %swap3A_36] {strides = array<i32>} : memref<128x128xf32, #tpu.memory_space<vmem>>, vector<1x16xf32>,
      %swap3A_38 = vector.shape_cast %swap3A_37 : vector<1x16xf32> to vector<16xf32>
      %swap3A_39 = vector.shape_cast %broadcast_in_dim3A_34 : vector<16xf32> to vector<1x16xf32>
      tpu.vector_store %arg5[%swap3A_35, %swap3A_36], %swap3A_39 {strides = array<i32>} : memref<128x128xf32, #tpu.memory_space<vmem>>, vector<1x16xf32>,
      %broadcast_in_dim3A_40 = arith.constant 1.000000e+00 : f32
      %broadcast_in_dim3A_41 = vector.broadcast %broadcast_in_dim3A_40 : f32 to vector<16xf32>
      %swap3A_42 = arith.index_cast %scan3A_27 : i32 to index
      %swap3A_43 = arith.constant 32 : index
      %swap3A_44 = tpu.vector_load %arg5[%swap3A_42, %swap3A_43] {strides = array<i32>} : memref<128x128xf32, #tpu.memory_space<vmem>>, vector<1x16xf32>,
      %swap3A_45 = vector.shape_cast %swap3A_44 : vector<1x16xf32> to vector<16xf32>
      %swap3A_46 = vector.shape_cast %broadcast_in_dim3A_41 : vector<16xf32> to vector<1x16xf32>
      tpu.vector_store %arg5[%swap3A_42, %swap3A_43], %swap3A_46 {strides = array<i32>} : memref<128x128xf32, #tpu.memory_space<vmem>>, vector<1x16xf32>,
      %broadcast_in_dim3A_47 = arith.constant 1.000000e+00 : f32
      %broadcast_in_dim3A_48 = vector.broadcast %broadcast_in_dim3A_47 : f32 to vector<16xf32>
      %swap3A_49 = arith.index_cast %scan3A_27 : i32 to index
      %swap3A_50 = arith.constant 48 : index
      %swap3A_51 = tpu.vector_load %arg5[%swap3A_49, %swap3A_50] {strides = array<i32>} : memref<128x128xf32, #tpu.memory_space<vmem>>, vector<1x16xf32>,
      %swap3A_52 = vector.shape_cast %swap3A_51 : vector<1x16xf32> to vector<16xf32>
      %swap3A_53 = vector.shape_cast %broadcast_in_dim3A_48 : vector<16xf32> to vector<1x16xf32>
      tpu.vector_store %arg5[%swap3A_49, %swap3A_50], %swap3A_53 {strides = array<i32>} : memref<128x128xf32, #tpu.memory_space<vmem>>, vector<1x16xf32>,
      %broadcast_in_dim3A_54 = arith.constant 1.000000e+00 : f32
      %broadcast_in_dim3A_55 = vector.broadcast %broadcast_in_dim3A_54 : f32 to vector<16xf32>
      %swap3A_56 = arith.index_cast %scan3A_27 : i32 to index
      %swap3A_57 = arith.constant 64 : index
      %swap3A_58 = tpu.vector_load %arg5[%swap3A_56, %swap3A_57] {strides = array<i32>} : memref<128x128xf32, #tpu.memory_space<vmem>>, vector<1x16xf32>,
      %swap3A_59 = vector.shape_cast %swap3A_58 : vector<1x16xf32> to vector<16xf32>
      %swap3A_60 = vector.shape_cast %broadcast_in_dim3A_55 : vector<16xf32> to vector<1x16xf32>
      tpu.vector_store %arg5[%swap3A_56, %swap3A_57], %swap3A_60 {strides = array<i32>} : memref<128x128xf32, #tpu.memory_space<vmem>>, vector<1x16xf32>,
      %broadcast_in_dim3A_61 = arith.constant 1.000000e+00 : f32
      %broadcast_in_dim3A_62 = vector.broadcast %broadcast_in_dim3A_61 : f32 to vector<16xf32>
      %swap3A_63 = arith.index_cast %scan3A_27 : i32 to index
      %swap3A_64 = arith.constant 80 : index
      %swap3A_65 = tpu.vector_load %arg5[%swap3A_63, %swap3A_64] {strides = array<i32>} : memref<128x128xf32, #tpu.memory_space<vmem>>, vector<1x16xf32>,
      %swap3A_66 = vector.shape_cast %swap3A_65 : vector<1x16xf32> to vector<16xf32>
      %swap3A_67 = vector.shape_cast %broadcast_in_dim3A_62 : vector<16xf32> to vector<1x16xf32>
      tpu.vector_store %arg5[%swap3A_63, %swap3A_64], %swap3A_67 {strides = array<i32>} : memref<128x128xf32, #tpu.memory_space<vmem>>, vector<1x16xf32>,
      %broadcast_in_dim3A_68 = arith.constant 1.000000e+00 : f32
      %broadcast_in_dim3A_69 = vector.broadcast %broadcast_in_dim3A_68 : f32 to vector<16xf32>
      %swap3A_70 = arith.index_cast %scan3A_27 : i32 to index
      %swap3A_71 = arith.constant 96 : index
      %swap3A_72 = tpu.vector_load %arg5[%swap3A_70, %swap3A_71] {strides = array<i32>} : memref<128x128xf32, #tpu.memory_space<vmem>>, vector<1x16xf32>,
      %swap3A_73 = vector.shape_cast %swap3A_72 : vector<1x16xf32> to vector<16xf32>
      %swap3A_74 = vector.shape_cast %broadcast_in_dim3A_69 : vector<16xf32> to vector<1x16xf32>
      tpu.vector_store %arg5[%swap3A_70, %swap3A_71], %swap3A_74 {strides = array<i32>} : memref<128x128xf32, #tpu.memory_space<vmem>>, vector<1x16xf32>,
      %broadcast_in_dim3A_75 = arith.constant 1.000000e+00 : f32
      %broadcast_in_dim3A_76 = vector.broadcast %broadcast_in_dim3A_75 : f32 to vector<16xf32>
      %swap3A_77 = arith.index_cast %scan3A_27 : i32 to index
      %swap3A_78 = arith.constant 112 : index
      %swap3A_79 = tpu.vector_load %arg5[%swap3A_77, %swap3A_78] {strides = array<i32>} : memref<128x128xf32, #tpu.memory_space<vmem>>, vector<1x16xf32>,
      %swap3A_80 = vector.shape_cast %swap3A_79 : vector<1x16xf32> to vector<16xf32>
      %swap3A_81 = vector.shape_cast %broadcast_in_dim3A_76 : vector<16xf32> to vector<1x16xf32>
      tpu.vector_store %arg5[%swap3A_77, %swap3A_78], %swap3A_81 {strides = array<i32>} : memref<128x128xf32, #tpu.memory_space<vmem>>, vector<1x16xf32>,
    }
    %scan3A_14 = arith.constant 128 : i32
    %barrier3A = arith.constant 0 : index
    tpu.barrier barrier_id(%barrier3A)
    %mul3A_15 = arith.constant 80 : i32
    %mul3A_16 = arith.muli %add3A, %mul3A_15 : i32
    "tpu.region"() ({
      %run_scoped3A = tpu.sem_alloc : memref<!tpu.dma_semaphore, #tpu.memory_space<semaphore_mem>>
      %dma_start3A = arith.constant 0 : i32
      %dma_start3A_27 = tpu.memref_slice %arg2[%mul3A_16, %dma_start3A] : memref<2560x128xi32, #tpu.memory_space<hbm>> -> memref<80x128xi32, #tpu.memory_space<hbm>>
      %dma_start3A_28 = arith.constant 0 : i32
      %dma_start3A_29 = tpu.memref_slice %arg2[%mul3A_16, %dma_start3A_28] : memref<2560x128xi32, #tpu.memory_space<hbm>> -> memref<80x128xi32, #tpu.memory_space<hbm>>
      tpu.enqueue_dma source(%dma_start3A_29 : memref<80x128xi32, #tpu.memory_space<hbm>>) target(%arg4 : memref<80x128xi32, #tpu.memory_space<vmem>>) target_semaphore(%run_scoped3A : memref<!tpu.dma_semaphore, #tpu.memory_space<semaphore_mem>>)
      %dma_wait3A = arith.constant 0 : i32
      %dma_wait3A_30 = tpu.memref_slice %arg2[%mul3A_16, %dma_wait3A] : memref<2560x128xi32, #tpu.memory_space<hbm>> -> memref<80x128xi32, #tpu.memory_space<hbm>>
      %dma_wait3A_31 = arith.constant 0 : i32
      %dma_wait3A_32 = tpu.memref_slice %arg2[%mul3A_16, %dma_wait3A_31] : memref<2560x128xi32, #tpu.memory_space<hbm>> -> memref<80x128xi32, #tpu.memory_space<hbm>>
      tpu.wait_dma2 semaphore(%run_scoped3A : memref<!tpu.dma_semaphore, #tpu.memory_space<semaphore_mem>>) src(%dma_wait3A_32 : memref<80x128xi32, #tpu.memory_space<hbm>>) dst(%arg4 : memref<80x128xi32, #tpu.memory_space<vmem>>)
      tpu.yield
    }) : () -> ()
    %scan3A_17 = arith.constant 0 : i32
    %scan3A_18 = arith.constant 80 : i32
    %scan3A_19 = arith.addi %scan3A_17, %scan3A_18 : i32
    %scan3A_20 = arith.constant 1 : i32
    scf.for %scan3A_27 = %scan3A_17 to %scan3A_19 step %scan3A_20  : i32 {
      "tpu.region"() ({
        %run_scoped3A = tpu.sem_alloc : memref<!tpu.dma_semaphore, #tpu.memory_space<semaphore_mem>>
        %dma_start3A = arith.constant 0 : i32
        %dma_start3A_28 = tpu.memref_slice %arg4[%scan3A_27, %dma_start3A] : memref<80x128xi32, #tpu.memory_space<vmem>> -> memref<1x128xi32, #tpu.memory_space<vmem>>
        %dma_start3A_29 = tpu.memref_squeeze %dma_start3A_28 : memref<1x128xi32, #tpu.memory_space<vmem>> -> memref<128xi32, #tpu.memory_space<vmem>>
        %dma_start3A_30 = arith.constant 0 : i32
        %dma_start3A_31 = arith.constant 0 : i32
        %dma_start3A_32 = tpu.memref_slice %arg6[%dma_start3A_30, %dma_start3A_31] : memref<10240x128xf32, #tpu.memory_space<vmem_shared>> -> memref<10240x128xf32, #tpu.memory_space<vmem_shared>>
        tpu.enqueue_indirect_dma source(%arg5 : memref<128x128xf32, #tpu.memory_space<vmem>>) target(%dma_start3A_32 : memref<10240x128xf32, #tpu.memory_space<vmem_shared>>) offsets(%dma_start3A_29 : memref<128xi32, #tpu.memory_space<vmem>>) semaphore(%run_scoped3A : memref<!tpu.dma_semaphore, #tpu.memory_space<semaphore_mem>>) {add = true}
        %dma_wait3A = arith.constant 0 : i32
        %dma_wait3A_33 = tpu.memref_slice %arg4[%scan3A_27, %dma_wait3A] : memref<80x128xi32, #tpu.memory_space<vmem>> -> memref<1x128xi32, #tpu.memory_space<vmem>>
        %dma_wait3A_34 = tpu.memref_squeeze %dma_wait3A_33 : memref<1x128xi32, #tpu.memory_space<vmem>> -> memref<128xi32, #tpu.memory_space<vmem>>
        %dma_wait3A_35 = arith.constant 0 : i32
        %dma_wait3A_36 = arith.constant 0 : i32
        %dma_wait3A_37 = tpu.memref_slice %arg6[%dma_wait3A_35, %dma_wait3A_36] : memref<10240x128xf32, #tpu.memory_space<vmem_shared>> -> memref<10240x128xf32, #tpu.memory_space<vmem_shared>>
        tpu.wait_indirect_dma semaphore(%run_scoped3A : memref<!tpu.dma_semaphore, #tpu.memory_space<semaphore_mem>>) src(%arg5 : memref<128x128xf32, #tpu.memory_space<vmem>>) dst(%dma_wait3A_37 : memref<10240x128xf32, #tpu.memory_space<vmem_shared>>)
        tpu.yield
      }) : () -> ()
    }
    %scan3A_21 = arith.constant 80 : i32
    %barrier3A_22 = arith.constant 0 : index
    tpu.barrier barrier_id(%barrier3A_22)
    %mul3A_23 = arith.constant 640 : i32
    %mul3A_24 = arith.muli %arg1, %mul3A_23 : i32
    %mul3A_25 = arith.constant 640 : i32
    %mul3A_26 = arith.muli %arg1, %mul3A_25 : i32
    "tpu.region"() ({
      %run_scoped3A = tpu.sem_alloc : memref<!tpu.dma_semaphore, #tpu.memory_space<semaphore_mem>>
      %dma_start3A = arith.constant 0 : i32
      %dma_start3A_27 = tpu.memref_slice %arg3[%arg0, %mul3A_26, %dma_start3A] : memref<2x10240x128xf32, #tpu.memory_space<hbm>> -> memref<1x640x128xf32, #tpu.memory_space<hbm>>
      %dma_start3A_28 = tpu.memref_squeeze %dma_start3A_27 : memref<1x640x128xf32, #tpu.memory_space<hbm>> -> memref<640x128xf32, #tpu.memory_space<hbm>>
      %dma_start3A_29 = arith.constant 0 : i32
      %dma_start3A_30 = tpu.memref_slice %arg6[%mul3A_24, %dma_start3A_29] : memref<10240x128xf32, #tpu.memory_space<vmem_shared>> -> memref<640x128xf32, #tpu.memory_space<vmem_shared>>
      tpu.enqueue_dma source(%dma_start3A_30 : memref<640x128xf32, #tpu.memory_space<vmem_shared>>) target(%dma_start3A_28 : memref<640x128xf32, #tpu.memory_space<hbm>>) target_semaphore(%run_scoped3A : memref<!tpu.dma_semaphore, #tpu.memory_space<semaphore_mem>>)
      %dma_wait3A = arith.constant 0 : i32
      %dma_wait3A_31 = tpu.memref_slice %arg3[%arg0, %mul3A_26, %dma_wait3A] : memref<2x10240x128xf32, #tpu.memory_space<hbm>> -> memref<1x640x128xf32, #tpu.memory_space<hbm>>
      %dma_wait3A_32 = tpu.memref_squeeze %dma_wait3A_31 : memref<1x640x128xf32, #tpu.memory_space<hbm>> -> memref<640x128xf32, #tpu.memory_space<hbm>>
      %dma_wait3A_33 = arith.constant 0 : i32
      %dma_wait3A_34 = tpu.memref_slice %arg6[%mul3A_24, %dma_wait3A_33] : memref<10240x128xf32, #tpu.memory_space<vmem_shared>> -> memref<640x128xf32, #tpu.memory_space<vmem_shared>>
      tpu.wait_dma2 semaphore(%run_scoped3A : memref<!tpu.dma_semaphore, #tpu.memory_space<semaphore_mem>>) src(%dma_wait3A_34 : memref<640x128xf32, #tpu.memory_space<vmem_shared>>) dst(%dma_wait3A_32 : memref<640x128xf32, #tpu.memory_space<hbm>>)
      tpu.yield
    }) : () -> ()
    return
  }
}

#map = affine_map<(d0, d1) -> (0, 0)>
module attributes {stable_mosaic.version = 14 : i64} {
  func.func @_edge_kernel(%arg0: i32, %arg1: i32, %arg2: memref<2560x128xi32, #tpu.memory_space<hbm>>, %arg3: memref<2560x128xi32, #tpu.memory_space<hbm>>, %arg4: memref<10240x128xf32, #tpu.memory_space<hbm>>, %arg5: memref<10240x128xf32, #tpu.memory_space<hbm>>, %arg6: memref<8x128xi32, #tpu.memory_space<vmem>>, %arg7: memref<8x128xi32, #tpu.memory_space<vmem>>, %arg8: memref<128x128xf32, #tpu.memory_space<vmem>>, %arg9: memref<128x128xf32, #tpu.memory_space<vmem>>, %arg10: memref<10240x128xf32, #tpu.memory_space<vmem_shared>>, %arg11: memref<!tpu.dma_semaphore, #tpu.memory_space<semaphore_mem>>, %arg12: memref<!tpu.dma_semaphore, #tpu.memory_space<semaphore_mem>>) attributes {dimension_semantics = [#tpu.dimension_semantics<core_parallel>, #tpu.dimension_semantics<subcore_parallel>], iteration_bounds = array<i64: 2, 16>, scalar_prefetch = 0 : i64, scratch_operands = 7 : i64, tpu.core_type = #tpu.core_type<sc_vector_subcore>, window_params = [{transform_indices = #map}, {transform_indices = #map}, {transform_indices = #map}, {transform_indices = #map}]} {
    %eq3A = arith.constant 0 : i32
    %eq3A_0 = arith.cmpi eq, %arg0, %eq3A : i32
    %convert_element_type3A = arith.extui %eq3A_0 : i1 to i32
    %cond3A = arith.constant 0 : i32
    %cond3A_1 = arith.cmpi ne, %convert_element_type3A, %cond3A : i32
    scf.if %cond3A_1 {
      %scan3A = arith.constant 0 : i32
      %scan3A_2 = arith.constant 128 : i32
      %scan3A_3 = arith.addi %scan3A, %scan3A_2 : i32
      %scan3A_4 = arith.constant 1 : i32
      scf.for %scan3A_20 = %scan3A to %scan3A_3 step %scan3A_4  : i32 {
        %broadcast_in_dim3A = arith.constant 0.000000e+00 : f32
        %broadcast_in_dim3A_21 = vector.broadcast %broadcast_in_dim3A : f32 to vector<16xf32>
        %swap3A = arith.index_cast %scan3A_20 : i32 to index
        %swap3A_22 = arith.constant 0 : index
        %swap3A_23 = tpu.vector_load %arg8[%swap3A, %swap3A_22] {strides = array<i32>} : memref<128x128xf32, #tpu.memory_space<vmem>>, vector<1x16xf32>,
        %swap3A_24 = vector.shape_cast %swap3A_23 : vector<1x16xf32> to vector<16xf32>
        %swap3A_25 = vector.shape_cast %broadcast_in_dim3A_21 : vector<16xf32> to vector<1x16xf32>
        tpu.vector_store %arg8[%swap3A, %swap3A_22], %swap3A_25 {strides = array<i32>} : memref<128x128xf32, #tpu.memory_space<vmem>>, vector<1x16xf32>,
        %broadcast_in_dim3A_26 = arith.constant 0.000000e+00 : f32
        %broadcast_in_dim3A_27 = vector.broadcast %broadcast_in_dim3A_26 : f32 to vector<16xf32>
        %swap3A_28 = arith.index_cast %scan3A_20 : i32 to index
        %swap3A_29 = arith.constant 16 : index
        %swap3A_30 = tpu.vector_load %arg8[%swap3A_28, %swap3A_29] {strides = array<i32>} : memref<128x128xf32, #tpu.memory_space<vmem>>, vector<1x16xf32>,
        %swap3A_31 = vector.shape_cast %swap3A_30 : vector<1x16xf32> to vector<16xf32>
        %swap3A_32 = vector.shape_cast %broadcast_in_dim3A_27 : vector<16xf32> to vector<1x16xf32>
        tpu.vector_store %arg8[%swap3A_28, %swap3A_29], %swap3A_32 {strides = array<i32>} : memref<128x128xf32, #tpu.memory_space<vmem>>, vector<1x16xf32>,
        %broadcast_in_dim3A_33 = arith.constant 0.000000e+00 : f32
        %broadcast_in_dim3A_34 = vector.broadcast %broadcast_in_dim3A_33 : f32 to vector<16xf32>
        %swap3A_35 = arith.index_cast %scan3A_20 : i32 to index
        %swap3A_36 = arith.constant 32 : index
        %swap3A_37 = tpu.vector_load %arg8[%swap3A_35, %swap3A_36] {strides = array<i32>} : memref<128x128xf32, #tpu.memory_space<vmem>>, vector<1x16xf32>,
        %swap3A_38 = vector.shape_cast %swap3A_37 : vector<1x16xf32> to vector<16xf32>
        %swap3A_39 = vector.shape_cast %broadcast_in_dim3A_34 : vector<16xf32> to vector<1x16xf32>
        tpu.vector_store %arg8[%swap3A_35, %swap3A_36], %swap3A_39 {strides = array<i32>} : memref<128x128xf32, #tpu.memory_space<vmem>>, vector<1x16xf32>,
        %broadcast_in_dim3A_40 = arith.constant 0.000000e+00 : f32
        %broadcast_in_dim3A_41 = vector.broadcast %broadcast_in_dim3A_40 : f32 to vector<16xf32>
        %swap3A_42 = arith.index_cast %scan3A_20 : i32 to index
        %swap3A_43 = arith.constant 48 : index
        %swap3A_44 = tpu.vector_load %arg8[%swap3A_42, %swap3A_43] {strides = array<i32>} : memref<128x128xf32, #tpu.memory_space<vmem>>, vector<1x16xf32>,
        %swap3A_45 = vector.shape_cast %swap3A_44 : vector<1x16xf32> to vector<16xf32>
        %swap3A_46 = vector.shape_cast %broadcast_in_dim3A_41 : vector<16xf32> to vector<1x16xf32>
        tpu.vector_store %arg8[%swap3A_42, %swap3A_43], %swap3A_46 {strides = array<i32>} : memref<128x128xf32, #tpu.memory_space<vmem>>, vector<1x16xf32>,
        %broadcast_in_dim3A_47 = arith.constant 0.000000e+00 : f32
        %broadcast_in_dim3A_48 = vector.broadcast %broadcast_in_dim3A_47 : f32 to vector<16xf32>
        %swap3A_49 = arith.index_cast %scan3A_20 : i32 to index
        %swap3A_50 = arith.constant 64 : index
        %swap3A_51 = tpu.vector_load %arg8[%swap3A_49, %swap3A_50] {strides = array<i32>} : memref<128x128xf32, #tpu.memory_space<vmem>>, vector<1x16xf32>,
        %swap3A_52 = vector.shape_cast %swap3A_51 : vector<1x16xf32> to vector<16xf32>
        %swap3A_53 = vector.shape_cast %broadcast_in_dim3A_48 : vector<16xf32> to vector<1x16xf32>
        tpu.vector_store %arg8[%swap3A_49, %swap3A_50], %swap3A_53 {strides = array<i32>} : memref<128x128xf32, #tpu.memory_space<vmem>>, vector<1x16xf32>,
        %broadcast_in_dim3A_54 = arith.constant 0.000000e+00 : f32
        %broadcast_in_dim3A_55 = vector.broadcast %broadcast_in_dim3A_54 : f32 to vector<16xf32>
        %swap3A_56 = arith.index_cast %scan3A_20 : i32 to index
        %swap3A_57 = arith.constant 80 : index
        %swap3A_58 = tpu.vector_load %arg8[%swap3A_56, %swap3A_57] {strides = array<i32>} : memref<128x128xf32, #tpu.memory_space<vmem>>, vector<1x16xf32>,
        %swap3A_59 = vector.shape_cast %swap3A_58 : vector<1x16xf32> to vector<16xf32>
        %swap3A_60 = vector.shape_cast %broadcast_in_dim3A_55 : vector<16xf32> to vector<1x16xf32>
        tpu.vector_store %arg8[%swap3A_56, %swap3A_57], %swap3A_60 {strides = array<i32>} : memref<128x128xf32, #tpu.memory_space<vmem>>, vector<1x16xf32>,
        %broadcast_in_dim3A_61 = arith.constant 0.000000e+00 : f32
        %broadcast_in_dim3A_62 = vector.broadcast %broadcast_in_dim3A_61 : f32 to vector<16xf32>
        %swap3A_63 = arith.index_cast %scan3A_20 : i32 to index
        %swap3A_64 = arith.constant 96 : index
        %swap3A_65 = tpu.vector_load %arg8[%swap3A_63, %swap3A_64] {strides = array<i32>} : memref<128x128xf32, #tpu.memory_space<vmem>>, vector<1x16xf32>,
        %swap3A_66 = vector.shape_cast %swap3A_65 : vector<1x16xf32> to vector<16xf32>
        %swap3A_67 = vector.shape_cast %broadcast_in_dim3A_62 : vector<16xf32> to vector<1x16xf32>
        tpu.vector_store %arg8[%swap3A_63, %swap3A_64], %swap3A_67 {strides = array<i32>} : memref<128x128xf32, #tpu.memory_space<vmem>>, vector<1x16xf32>,
        %broadcast_in_dim3A_68 = arith.constant 0.000000e+00 : f32
        %broadcast_in_dim3A_69 = vector.broadcast %broadcast_in_dim3A_68 : f32 to vector<16xf32>
        %swap3A_70 = arith.index_cast %scan3A_20 : i32 to index
        %swap3A_71 = arith.constant 112 : index
        %swap3A_72 = tpu.vector_load %arg8[%swap3A_70, %swap3A_71] {strides = array<i32>} : memref<128x128xf32, #tpu.memory_space<vmem>>, vector<1x16xf32>,
        %swap3A_73 = vector.shape_cast %swap3A_72 : vector<1x16xf32> to vector<16xf32>
        %swap3A_74 = vector.shape_cast %broadcast_in_dim3A_69 : vector<16xf32> to vector<1x16xf32>
        tpu.vector_store %arg8[%swap3A_70, %swap3A_71], %swap3A_74 {strides = array<i32>} : memref<128x128xf32, #tpu.memory_space<vmem>>, vector<1x16xf32>,
      }
      %scan3A_5 = arith.constant 128 : i32
      %scan3A_6 = arith.constant 0 : i32
      %scan3A_7 = arith.constant 5 : i32
      %scan3A_8 = arith.addi %scan3A_6, %scan3A_7 : i32
      %scan3A_9 = arith.constant 1 : i32
      scf.for %scan3A_20 = %scan3A_6 to %scan3A_8 step %scan3A_9  : i32 {
        %mul3A_21 = arith.constant 640 : i32
        %mul3A_22 = arith.muli %arg1, %mul3A_21 : i32
        %mul3A_23 = arith.constant 128 : i32
        %mul3A_24 = arith.muli %scan3A_20, %mul3A_23 : i32
        %add3A = arith.addi %mul3A_22, %mul3A_24 : i32
        "tpu.region"() ({
          %run_scoped3A = tpu.sem_alloc : memref<!tpu.dma_semaphore, #tpu.memory_space<semaphore_mem>>
          %dma_start3A = arith.constant 0 : i32
          %dma_start3A_25 = tpu.memref_slice %arg10[%add3A, %dma_start3A] : memref<10240x128xf32, #tpu.memory_space<vmem_shared>> -> memref<128x128xf32, #tpu.memory_space<vmem_shared>>
          %dma_start3A_26 = arith.constant 0 : i32
          %dma_start3A_27 = tpu.memref_slice %arg10[%add3A, %dma_start3A_26] : memref<10240x128xf32, #tpu.memory_space<vmem_shared>> -> memref<128x128xf32, #tpu.memory_space<vmem_shared>>
          tpu.enqueue_dma source(%arg8 : memref<128x128xf32, #tpu.memory_space<vmem>>) target(%dma_start3A_27 : memref<128x128xf32, #tpu.memory_space<vmem_shared>>) target_semaphore(%run_scoped3A : memref<!tpu.dma_semaphore, #tpu.memory_space<semaphore_mem>>)
          %dma_wait3A = arith.constant 0 : i32
          %dma_wait3A_28 = tpu.memref_slice %arg10[%add3A, %dma_wait3A] : memref<10240x128xf32, #tpu.memory_space<vmem_shared>> -> memref<128x128xf32, #tpu.memory_space<vmem_shared>>
          %dma_wait3A_29 = arith.constant 0 : i32
          %dma_wait3A_30 = tpu.memref_slice %arg10[%add3A, %dma_wait3A_29] : memref<10240x128xf32, #tpu.memory_space<vmem_shared>> -> memref<128x128xf32, #tpu.memory_space<vmem_shared>>
          tpu.wait_dma2 semaphore(%run_scoped3A : memref<!tpu.dma_semaphore, #tpu.memory_space<semaphore_mem>>) src(%arg8 : memref<128x128xf32, #tpu.memory_space<vmem>>) dst(%dma_wait3A_30 : memref<128x128xf32, #tpu.memory_space<vmem_shared>>)
          tpu.yield
        }) : () -> ()
      }
      %scan3A_10 = arith.constant 5 : i32
      %barrier3A = arith.constant 0 : index
      tpu.barrier barrier_id(%barrier3A)
      %scan3A_11 = arith.constant 0 : i32
      %scan3A_12 = arith.constant 20 : i32
      %scan3A_13 = arith.addi %scan3A_11, %scan3A_12 : i32
      %scan3A_14 = arith.constant 1 : i32
      scf.for %scan3A_20 = %scan3A_11 to %scan3A_13 step %scan3A_14  : i32 {
        %mul3A_21 = arith.constant 160 : i32
        %mul3A_22 = arith.muli %arg1, %mul3A_21 : i32
        %mul3A_23 = arith.constant 8 : i32
        %mul3A_24 = arith.muli %scan3A_20, %mul3A_23 : i32
        %add3A = arith.addi %mul3A_22, %mul3A_24 : i32
        "tpu.region"() ({
          %run_scoped3A = tpu.sem_alloc : memref<!tpu.dma_semaphore, #tpu.memory_space<semaphore_mem>>
          %dma_start3A_43 = arith.constant 0 : i32
          %dma_start3A_44 = tpu.memref_slice %arg2[%add3A, %dma_start3A_43] : memref<2560x128xi32, #tpu.memory_space<hbm>> -> memref<8x128xi32, #tpu.memory_space<hbm>>
          %dma_start3A_45 = arith.constant 0 : i32
          %dma_start3A_46 = tpu.memref_slice %arg2[%add3A, %dma_start3A_45] : memref<2560x128xi32, #tpu.memory_space<hbm>> -> memref<8x128xi32, #tpu.memory_space<hbm>>
          tpu.enqueue_dma source(%dma_start3A_46 : memref<8x128xi32, #tpu.memory_space<hbm>>) target(%arg6 : memref<8x128xi32, #tpu.memory_space<vmem>>) target_semaphore(%run_scoped3A : memref<!tpu.dma_semaphore, #tpu.memory_space<semaphore_mem>>)
          %dma_wait3A = arith.constant 0 : i32
          %dma_wait3A_47 = tpu.memref_slice %arg2[%add3A, %dma_wait3A] : memref<2560x128xi32, #tpu.memory_space<hbm>> -> memref<8x128xi32, #tpu.memory_space<hbm>>
          %dma_wait3A_48 = arith.constant 0 : i32
          %dma_wait3A_49 = tpu.memref_slice %arg2[%add3A, %dma_wait3A_48] : memref<2560x128xi32, #tpu.memory_space<hbm>> -> memref<8x128xi32, #tpu.memory_space<hbm>>
          tpu.wait_dma2 semaphore(%run_scoped3A : memref<!tpu.dma_semaphore, #tpu.memory_space<semaphore_mem>>) src(%dma_wait3A_49 : memref<8x128xi32, #tpu.memory_space<hbm>>) dst(%arg6 : memref<8x128xi32, #tpu.memory_space<vmem>>)
          tpu.yield
        }) : () -> ()
        "tpu.region"() ({
          %run_scoped3A = tpu.sem_alloc : memref<!tpu.dma_semaphore, #tpu.memory_space<semaphore_mem>>
          %dma_start3A_43 = arith.constant 0 : i32
          %dma_start3A_44 = tpu.memref_slice %arg3[%add3A, %dma_start3A_43] : memref<2560x128xi32, #tpu.memory_space<hbm>> -> memref<8x128xi32, #tpu.memory_space<hbm>>
          %dma_start3A_45 = arith.constant 0 : i32
          %dma_start3A_46 = tpu.memref_slice %arg3[%add3A, %dma_start3A_45] : memref<2560x128xi32, #tpu.memory_space<hbm>> -> memref<8x128xi32, #tpu.memory_space<hbm>>
          tpu.enqueue_dma source(%dma_start3A_46 : memref<8x128xi32, #tpu.memory_space<hbm>>) target(%arg7 : memref<8x128xi32, #tpu.memory_space<vmem>>) target_semaphore(%run_scoped3A : memref<!tpu.dma_semaphore, #tpu.memory_space<semaphore_mem>>)
          %dma_wait3A = arith.constant 0 : i32
          %dma_wait3A_47 = tpu.memref_slice %arg3[%add3A, %dma_wait3A] : memref<2560x128xi32, #tpu.memory_space<hbm>> -> memref<8x128xi32, #tpu.memory_space<hbm>>
          %dma_wait3A_48 = arith.constant 0 : i32
          %dma_wait3A_49 = tpu.memref_slice %arg3[%add3A, %dma_wait3A_48] : memref<2560x128xi32, #tpu.memory_space<hbm>> -> memref<8x128xi32, #tpu.memory_space<hbm>>
          tpu.wait_dma2 semaphore(%run_scoped3A : memref<!tpu.dma_semaphore, #tpu.memory_space<semaphore_mem>>) src(%dma_wait3A_49 : memref<8x128xi32, #tpu.memory_space<hbm>>) dst(%arg7 : memref<8x128xi32, #tpu.memory_space<vmem>>)
          tpu.yield
        }) : () -> ()
        %dma_start3A = arith.constant 0 : i32
        %dma_start3A_25 = arith.constant 0 : i32
        %dma_start3A_26 = tpu.memref_slice %arg6[%dma_start3A, %dma_start3A_25] : memref<8x128xi32, #tpu.memory_space<vmem>> -> memref<1x128xi32, #tpu.memory_space<vmem>>
        %dma_start3A_27 = tpu.memref_squeeze %dma_start3A_26 : memref<1x128xi32, #tpu.memory_space<vmem>> -> memref<128xi32, #tpu.memory_space<vmem>>
        %dma_start3A_28 = arith.constant 0 : i32
        %dma_start3A_29 = arith.constant 0 : i32
        %dma_start3A_30 = tpu.memref_slice %arg4[%dma_start3A_28, %dma_start3A_29] : memref<10240x128xf32, #tpu.memory_space<hbm>> -> memref<10240x128xf32, #tpu.memory_space<hbm>>
        tpu.enqueue_indirect_dma source(%dma_start3A_30 : memref<10240x128xf32, #tpu.memory_space<hbm>>) target(%arg8 : memref<128x128xf32, #tpu.memory_space<vmem>>) offsets(%dma_start3A_27 : memref<128xi32, #tpu.memory_space<vmem>>) semaphore(%arg11 : memref<!tpu.dma_semaphore, #tpu.memory_space<semaphore_mem>>)
        %dma_start3A_31 = arith.constant 1 : i32
        %dma_start3A_32 = arith.constant 0 : i32
        %dma_start3A_33 = tpu.memref_slice %arg6[%dma_start3A_31, %dma_start3A_32] : memref<8x128xi32, #tpu.memory_space<vmem>> -> memref<1x128xi32, #tpu.memory_space<vmem>>
        %dma_start3A_34 = tpu.memref_squeeze %dma_start3A_33 : memref<1x128xi32, #tpu.memory_space<vmem>> -> memref<128xi32, #tpu.memory_space<vmem>>
        %dma_start3A_35 = arith.constant 0 : i32
        %dma_start3A_36 = arith.constant 0 : i32
        %dma_start3A_37 = tpu.memref_slice %arg4[%dma_start3A_35, %dma_start3A_36] : memref<10240x128xf32, #tpu.memory_space<hbm>> -> memref<10240x128xf32, #tpu.memory_space<hbm>>
        tpu.enqueue_indirect_dma source(%dma_start3A_37 : memref<10240x128xf32, #tpu.memory_space<hbm>>) target(%arg9 : memref<128x128xf32, #tpu.memory_space<vmem>>) offsets(%dma_start3A_34 : memref<128xi32, #tpu.memory_space<vmem>>) semaphore(%arg12 : memref<!tpu.dma_semaphore, #tpu.memory_space<semaphore_mem>>)
        %scan3A_38 = arith.constant 0 : i32
        %scan3A_39 = arith.constant 4 : i32
        %scan3A_40 = arith.addi %scan3A_38, %scan3A_39 : i32
        %scan3A_41 = arith.constant 1 : i32
        scf.for %scan3A_43 = %scan3A_38 to %scan3A_40 step %scan3A_41  : i32 {
          %mul3A_44 = arith.constant 2 : i32
          %mul3A_45 = arith.muli %mul3A_44, %scan3A_43 : i32
          %mul3A_46 = arith.constant 2 : i32
          %mul3A_47 = arith.muli %mul3A_46, %scan3A_43 : i32
          %add3A_48 = arith.constant 1 : i32
          %add3A_49 = arith.addi %mul3A_47, %add3A_48 : i32
          %dma_wait3A = arith.constant 0 : i32
          %dma_wait3A_50 = tpu.memref_slice %arg6[%mul3A_45, %dma_wait3A] : memref<8x128xi32, #tpu.memory_space<vmem>> -> memref<1x128xi32, #tpu.memory_space<vmem>>
          %dma_wait3A_51 = tpu.memref_squeeze %dma_wait3A_50 : memref<1x128xi32, #tpu.memory_space<vmem>> -> memref<128xi32, #tpu.memory_space<vmem>>
          %dma_wait3A_52 = arith.constant 0 : i32
          %dma_wait3A_53 = arith.constant 0 : i32
          %dma_wait3A_54 = tpu.memref_slice %arg4[%dma_wait3A_52, %dma_wait3A_53] : memref<10240x128xf32, #tpu.memory_space<hbm>> -> memref<10240x128xf32, #tpu.memory_space<hbm>>
          tpu.wait_indirect_dma semaphore(%arg11 : memref<!tpu.dma_semaphore, #tpu.memory_space<semaphore_mem>>) src(%dma_wait3A_54 : memref<10240x128xf32, #tpu.memory_space<hbm>>) dst(%arg8 : memref<128x128xf32, #tpu.memory_space<vmem>>)
          "tpu.region"() ({
            %run_scoped3A = tpu.sem_alloc : memref<!tpu.dma_semaphore, #tpu.memory_space<semaphore_mem>>
            %dma_start3A_74 = arith.constant 0 : i32
            %dma_start3A_75 = tpu.memref_slice %arg7[%mul3A_45, %dma_start3A_74] : memref<8x128xi32, #tpu.memory_space<vmem>> -> memref<1x128xi32, #tpu.memory_space<vmem>>
            %dma_start3A_76 = tpu.memref_squeeze %dma_start3A_75 : memref<1x128xi32, #tpu.memory_space<vmem>> -> memref<128xi32, #tpu.memory_space<vmem>>
            %dma_start3A_77 = arith.constant 0 : i32
            %dma_start3A_78 = arith.constant 0 : i32
            %dma_start3A_79 = tpu.memref_slice %arg10[%dma_start3A_77, %dma_start3A_78] : memref<10240x128xf32, #tpu.memory_space<vmem_shared>> -> memref<10240x128xf32, #tpu.memory_space<vmem_shared>>
            tpu.enqueue_indirect_dma source(%arg8 : memref<128x128xf32, #tpu.memory_space<vmem>>) target(%dma_start3A_79 : memref<10240x128xf32, #tpu.memory_space<vmem_shared>>) offsets(%dma_start3A_76 : memref<128xi32, #tpu.memory_space<vmem>>) semaphore(%run_scoped3A : memref<!tpu.dma_semaphore, #tpu.memory_space<semaphore_mem>>) {add = true}
            %dma_wait3A_80 = arith.constant 0 : i32
            %dma_wait3A_81 = tpu.memref_slice %arg7[%mul3A_45, %dma_wait3A_80] : memref<8x128xi32, #tpu.memory_space<vmem>> -> memref<1x128xi32, #tpu.memory_space<vmem>>
            %dma_wait3A_82 = tpu.memref_squeeze %dma_wait3A_81 : memref<1x128xi32, #tpu.memory_space<vmem>> -> memref<128xi32, #tpu.memory_space<vmem>>
            %dma_wait3A_83 = arith.constant 0 : i32
            %dma_wait3A_84 = arith.constant 0 : i32
            %dma_wait3A_85 = tpu.memref_slice %arg10[%dma_wait3A_83, %dma_wait3A_84] : memref<10240x128xf32, #tpu.memory_space<vmem_shared>> -> memref<10240x128xf32, #tpu.memory_space<vmem_shared>>
            tpu.wait_indirect_dma semaphore(%run_scoped3A : memref<!tpu.dma_semaphore, #tpu.memory_space<semaphore_mem>>) src(%arg8 : memref<128x128xf32, #tpu.memory_space<vmem>>) dst(%dma_wait3A_85 : memref<10240x128xf32, #tpu.memory_space<vmem_shared>>)
            tpu.yield
          }) : () -> ()
          %add3A_55 = arith.constant 2 : i32
          %add3A_56 = arith.addi %mul3A_45, %add3A_55 : i32
          %lt3A = arith.constant 8 : i32
          %lt3A_57 = arith.cmpi slt, %add3A_56, %lt3A : i32
          %convert_element_type3A_58 = arith.extui %lt3A_57 : i1 to i32
          %cond3A_59 = arith.constant 0 : i32
          %cond3A_60 = arith.cmpi ne, %convert_element_type3A_58, %cond3A_59 : i32
          scf.if %cond3A_60 {
            %add3A_74 = arith.constant 2 : i32
            %add3A_75 = arith.addi %mul3A_45, %add3A_74 : i32
            %dma_start3A_76 = arith.constant 0 : i32
            %dma_start3A_77 = tpu.memref_slice %arg6[%add3A_75, %dma_start3A_76] : memref<8x128xi32, #tpu.memory_space<vmem>> -> memref<1x128xi32, #tpu.memory_space<vmem>>
            %dma_start3A_78 = tpu.memref_squeeze %dma_start3A_77 : memref<1x128xi32, #tpu.memory_space<vmem>> -> memref<128xi32, #tpu.memory_space<vmem>>
            %dma_start3A_79 = arith.constant 0 : i32
            %dma_start3A_80 = arith.constant 0 : i32
            %dma_start3A_81 = tpu.memref_slice %arg4[%dma_start3A_79, %dma_start3A_80] : memref<10240x128xf32, #tpu.memory_space<hbm>> -> memref<10240x128xf32, #tpu.memory_space<hbm>>
            tpu.enqueue_indirect_dma source(%dma_start3A_81 : memref<10240x128xf32, #tpu.memory_space<hbm>>) target(%arg8 : memref<128x128xf32, #tpu.memory_space<vmem>>) offsets(%dma_start3A_78 : memref<128xi32, #tpu.memory_space<vmem>>) semaphore(%arg11 : memref<!tpu.dma_semaphore, #tpu.memory_space<semaphore_mem>>)
          } else {
          }
          %dma_wait3A_61 = arith.constant 0 : i32
          %dma_wait3A_62 = tpu.memref_slice %arg6[%add3A_49, %dma_wait3A_61] : memref<8x128xi32, #tpu.memory_space<vmem>> -> memref<1x128xi32, #tpu.memory_space<vmem>>
          %dma_wait3A_63 = tpu.memref_squeeze %dma_wait3A_62 : memref<1x128xi32, #tpu.memory_space<vmem>> -> memref<128xi32, #tpu.memory_space<vmem>>
          %dma_wait3A_64 = arith.constant 0 : i32
          %dma_wait3A_65 = arith.constant 0 : i32
          %dma_wait3A_66 = tpu.memref_slice %arg4[%dma_wait3A_64, %dma_wait3A_65] : memref<10240x128xf32, #tpu.memory_space<hbm>> -> memref<10240x128xf32, #tpu.memory_space<hbm>>
          tpu.wait_indirect_dma semaphore(%arg12 : memref<!tpu.dma_semaphore, #tpu.memory_space<semaphore_mem>>) src(%dma_wait3A_66 : memref<10240x128xf32, #tpu.memory_space<hbm>>) dst(%arg9 : memref<128x128xf32, #tpu.memory_space<vmem>>)
          "tpu.region"() ({
            %run_scoped3A = tpu.sem_alloc : memref<!tpu.dma_semaphore, #tpu.memory_space<semaphore_mem>>
            %dma_start3A_74 = arith.constant 0 : i32
            %dma_start3A_75 = tpu.memref_slice %arg7[%add3A_49, %dma_start3A_74] : memref<8x128xi32, #tpu.memory_space<vmem>> -> memref<1x128xi32, #tpu.memory_space<vmem>>
            %dma_start3A_76 = tpu.memref_squeeze %dma_start3A_75 : memref<1x128xi32, #tpu.memory_space<vmem>> -> memref<128xi32, #tpu.memory_space<vmem>>
            %dma_start3A_77 = arith.constant 0 : i32
            %dma_start3A_78 = arith.constant 0 : i32
            %dma_start3A_79 = tpu.memref_slice %arg10[%dma_start3A_77, %dma_start3A_78] : memref<10240x128xf32, #tpu.memory_space<vmem_shared>> -> memref<10240x128xf32, #tpu.memory_space<vmem_shared>>
            tpu.enqueue_indirect_dma source(%arg9 : memref<128x128xf32, #tpu.memory_space<vmem>>) target(%dma_start3A_79 : memref<10240x128xf32, #tpu.memory_space<vmem_shared>>) offsets(%dma_start3A_76 : memref<128xi32, #tpu.memory_space<vmem>>) semaphore(%run_scoped3A : memref<!tpu.dma_semaphore, #tpu.memory_space<semaphore_mem>>) {add = true}
            %dma_wait3A_80 = arith.constant 0 : i32
            %dma_wait3A_81 = tpu.memref_slice %arg7[%add3A_49, %dma_wait3A_80] : memref<8x128xi32, #tpu.memory_space<vmem>> -> memref<1x128xi32, #tpu.memory_space<vmem>>
            %dma_wait3A_82 = tpu.memref_squeeze %dma_wait3A_81 : memref<1x128xi32, #tpu.memory_space<vmem>> -> memref<128xi32, #tpu.memory_space<vmem>>
            %dma_wait3A_83 = arith.constant 0 : i32
            %dma_wait3A_84 = arith.constant 0 : i32
            %dma_wait3A_85 = tpu.memref_slice %arg10[%dma_wait3A_83, %dma_wait3A_84] : memref<10240x128xf32, #tpu.memory_space<vmem_shared>> -> memref<10240x128xf32, #tpu.memory_space<vmem_shared>>
            tpu.wait_indirect_dma semaphore(%run_scoped3A : memref<!tpu.dma_semaphore, #tpu.memory_space<semaphore_mem>>) src(%arg9 : memref<128x128xf32, #tpu.memory_space<vmem>>) dst(%dma_wait3A_85 : memref<10240x128xf32, #tpu.memory_space<vmem_shared>>)
            tpu.yield
          }) : () -> ()
          %add3A_67 = arith.constant 2 : i32
          %add3A_68 = arith.addi %add3A_49, %add3A_67 : i32
          %lt3A_69 = arith.constant 8 : i32
          %lt3A_70 = arith.cmpi slt, %add3A_68, %lt3A_69 : i32
          %convert_element_type3A_71 = arith.extui %lt3A_70 : i1 to i32
          %cond3A_72 = arith.constant 0 : i32
          %cond3A_73 = arith.cmpi ne, %convert_element_type3A_71, %cond3A_72 : i32
          scf.if %cond3A_73 {
            %add3A_74 = arith.constant 2 : i32
            %add3A_75 = arith.addi %add3A_49, %add3A_74 : i32
            %dma_start3A_76 = arith.constant 0 : i32
            %dma_start3A_77 = tpu.memref_slice %arg6[%add3A_75, %dma_start3A_76] : memref<8x128xi32, #tpu.memory_space<vmem>> -> memref<1x128xi32, #tpu.memory_space<vmem>>
            %dma_start3A_78 = tpu.memref_squeeze %dma_start3A_77 : memref<1x128xi32, #tpu.memory_space<vmem>> -> memref<128xi32, #tpu.memory_space<vmem>>
            %dma_start3A_79 = arith.constant 0 : i32
            %dma_start3A_80 = arith.constant 0 : i32
            %dma_start3A_81 = tpu.memref_slice %arg4[%dma_start3A_79, %dma_start3A_80] : memref<10240x128xf32, #tpu.memory_space<hbm>> -> memref<10240x128xf32, #tpu.memory_space<hbm>>
            tpu.enqueue_indirect_dma source(%dma_start3A_81 : memref<10240x128xf32, #tpu.memory_space<hbm>>) target(%arg9 : memref<128x128xf32, #tpu.memory_space<vmem>>) offsets(%dma_start3A_78 : memref<128xi32, #tpu.memory_space<vmem>>) semaphore(%arg12 : memref<!tpu.dma_semaphore, #tpu.memory_space<semaphore_mem>>)
          } else {
          }
        }
        %scan3A_42 = arith.constant 4 : i32
      }
      %scan3A_15 = arith.constant 20 : i32
      %barrier3A_16 = arith.constant 0 : index
      tpu.barrier barrier_id(%barrier3A_16)
      %mul3A = arith.constant 640 : i32
      %mul3A_17 = arith.muli %arg1, %mul3A : i32
      %mul3A_18 = arith.constant 640 : i32
      %mul3A_19 = arith.muli %arg1, %mul3A_18 : i32
      "tpu.region"() ({
        %run_scoped3A = tpu.sem_alloc : memref<!tpu.dma_semaphore, #tpu.memory_space<semaphore_mem>>
        %dma_start3A = arith.constant 0 : i32
        %dma_start3A_20 = tpu.memref_slice %arg5[%mul3A_19, %dma_start3A] : memref<10240x128xf32, #tpu.memory_space<hbm>> -> memref<640x128xf32, #tpu.memory_space<hbm>>
        %dma_start3A_21 = arith.constant 0 : i32
        %dma_start3A_22 = tpu.memref_slice %arg10[%mul3A_17, %dma_start3A_21] : memref<10240x128xf32, #tpu.memory_space<vmem_shared>> -> memref<640x128xf32, #tpu.memory_space<vmem_shared>>
        tpu.enqueue_dma source(%dma_start3A_22 : memref<640x128xf32, #tpu.memory_space<vmem_shared>>) target(%dma_start3A_20 : memref<640x128xf32, #tpu.memory_space<hbm>>) target_semaphore(%run_scoped3A : memref<!tpu.dma_semaphore, #tpu.memory_space<semaphore_mem>>)
        %dma_wait3A = arith.constant 0 : i32
        %dma_wait3A_23 = tpu.memref_slice %arg5[%mul3A_19, %dma_wait3A] : memref<10240x128xf32, #tpu.memory_space<hbm>> -> memref<640x128xf32, #tpu.memory_space<hbm>>
        %dma_wait3A_24 = arith.constant 0 : i32
        %dma_wait3A_25 = tpu.memref_slice %arg10[%mul3A_17, %dma_wait3A_24] : memref<10240x128xf32, #tpu.memory_space<vmem_shared>> -> memref<640x128xf32, #tpu.memory_space<vmem_shared>>
        tpu.wait_dma2 semaphore(%run_scoped3A : memref<!tpu.dma_semaphore, #tpu.memory_space<semaphore_mem>>) src(%dma_wait3A_25 : memref<640x128xf32, #tpu.memory_space<vmem_shared>>) dst(%dma_wait3A_23 : memref<640x128xf32, #tpu.memory_space<hbm>>)
        tpu.yield
      }) : () -> ()
    } else {
    }
    return
  }
}

#map = affine_map<(d0, d1) -> (0, 0)>
module attributes {stable_mosaic.version = 14 : i64} {
  func.func @_edge_kernel(%arg0: i32, %arg1: i32, %arg2: memref<2560x128xi32, #tpu.memory_space<hbm>>, %arg3: memref<2560x128xi32, #tpu.memory_space<hbm>>, %arg4: memref<10240x128xf32, #tpu.memory_space<hbm>>, %arg5: memref<10240x128xf32, #tpu.memory_space<hbm>>, %arg6: memref<8x128xi32, #tpu.memory_space<vmem>>, %arg7: memref<8x128xi32, #tpu.memory_space<vmem>>, %arg8: memref<128x128xf32, #tpu.memory_space<vmem>>, %arg9: memref<128x128xf32, #tpu.memory_space<vmem>>, %arg10: memref<10240x128xf32, #tpu.memory_space<vmem_shared>>, %arg11: memref<!tpu.dma_semaphore, #tpu.memory_space<semaphore_mem>>, %arg12: memref<!tpu.dma_semaphore, #tpu.memory_space<semaphore_mem>>) attributes {dimension_semantics = [#tpu.dimension_semantics<core_parallel>, #tpu.dimension_semantics<subcore_parallel>], iteration_bounds = array<i64: 2, 16>, scalar_prefetch = 0 : i64, scratch_operands = 7 : i64, tpu.core_type = #tpu.core_type<sc_vector_subcore>, window_params = [{transform_indices = #map}, {transform_indices = #map}, {transform_indices = #map}, {transform_indices = #map}]} {
    %eq3A = arith.constant 0 : i32
    %eq3A_0 = arith.cmpi eq, %arg0, %eq3A : i32
    %convert_element_type3A = arith.extui %eq3A_0 : i1 to i32
    %cond3A = arith.constant 0 : i32
    %cond3A_1 = arith.cmpi ne, %convert_element_type3A, %cond3A : i32
    scf.if %cond3A_1 {
      %scan3A = arith.constant 0 : i32
      %scan3A_2 = arith.constant 128 : i32
      %scan3A_3 = arith.addi %scan3A, %scan3A_2 : i32
      %scan3A_4 = arith.constant 1 : i32
      scf.for %scan3A_20 = %scan3A to %scan3A_3 step %scan3A_4  : i32 {
        %broadcast_in_dim3A = arith.constant 0.000000e+00 : f32
        %broadcast_in_dim3A_21 = vector.broadcast %broadcast_in_dim3A : f32 to vector<16xf32>
        %swap3A = arith.index_cast %scan3A_20 : i32 to index
        %swap3A_22 = arith.constant 0 : index
        %swap3A_23 = tpu.vector_load %arg8[%swap3A, %swap3A_22] {strides = array<i32>} : memref<128x128xf32, #tpu.memory_space<vmem>>, vector<1x16xf32>,
        %swap3A_24 = vector.shape_cast %swap3A_23 : vector<1x16xf32> to vector<16xf32>
        %swap3A_25 = vector.shape_cast %broadcast_in_dim3A_21 : vector<16xf32> to vector<1x16xf32>
        tpu.vector_store %arg8[%swap3A, %swap3A_22], %swap3A_25 {strides = array<i32>} : memref<128x128xf32, #tpu.memory_space<vmem>>, vector<1x16xf32>,
        %broadcast_in_dim3A_26 = arith.constant 0.000000e+00 : f32
        %broadcast_in_dim3A_27 = vector.broadcast %broadcast_in_dim3A_26 : f32 to vector<16xf32>
        %swap3A_28 = arith.index_cast %scan3A_20 : i32 to index
        %swap3A_29 = arith.constant 16 : index
        %swap3A_30 = tpu.vector_load %arg8[%swap3A_28, %swap3A_29] {strides = array<i32>} : memref<128x128xf32, #tpu.memory_space<vmem>>, vector<1x16xf32>,
        %swap3A_31 = vector.shape_cast %swap3A_30 : vector<1x16xf32> to vector<16xf32>
        %swap3A_32 = vector.shape_cast %broadcast_in_dim3A_27 : vector<16xf32> to vector<1x16xf32>
        tpu.vector_store %arg8[%swap3A_28, %swap3A_29], %swap3A_32 {strides = array<i32>} : memref<128x128xf32, #tpu.memory_space<vmem>>, vector<1x16xf32>,
        %broadcast_in_dim3A_33 = arith.constant 0.000000e+00 : f32
        %broadcast_in_dim3A_34 = vector.broadcast %broadcast_in_dim3A_33 : f32 to vector<16xf32>
        %swap3A_35 = arith.index_cast %scan3A_20 : i32 to index
        %swap3A_36 = arith.constant 32 : index
        %swap3A_37 = tpu.vector_load %arg8[%swap3A_35, %swap3A_36] {strides = array<i32>} : memref<128x128xf32, #tpu.memory_space<vmem>>, vector<1x16xf32>,
        %swap3A_38 = vector.shape_cast %swap3A_37 : vector<1x16xf32> to vector<16xf32>
        %swap3A_39 = vector.shape_cast %broadcast_in_dim3A_34 : vector<16xf32> to vector<1x16xf32>
        tpu.vector_store %arg8[%swap3A_35, %swap3A_36], %swap3A_39 {strides = array<i32>} : memref<128x128xf32, #tpu.memory_space<vmem>>, vector<1x16xf32>,
        %broadcast_in_dim3A_40 = arith.constant 0.000000e+00 : f32
        %broadcast_in_dim3A_41 = vector.broadcast %broadcast_in_dim3A_40 : f32 to vector<16xf32>
        %swap3A_42 = arith.index_cast %scan3A_20 : i32 to index
        %swap3A_43 = arith.constant 48 : index
        %swap3A_44 = tpu.vector_load %arg8[%swap3A_42, %swap3A_43] {strides = array<i32>} : memref<128x128xf32, #tpu.memory_space<vmem>>, vector<1x16xf32>,
        %swap3A_45 = vector.shape_cast %swap3A_44 : vector<1x16xf32> to vector<16xf32>
        %swap3A_46 = vector.shape_cast %broadcast_in_dim3A_41 : vector<16xf32> to vector<1x16xf32>
        tpu.vector_store %arg8[%swap3A_42, %swap3A_43], %swap3A_46 {strides = array<i32>} : memref<128x128xf32, #tpu.memory_space<vmem>>, vector<1x16xf32>,
        %broadcast_in_dim3A_47 = arith.constant 0.000000e+00 : f32
        %broadcast_in_dim3A_48 = vector.broadcast %broadcast_in_dim3A_47 : f32 to vector<16xf32>
        %swap3A_49 = arith.index_cast %scan3A_20 : i32 to index
        %swap3A_50 = arith.constant 64 : index
        %swap3A_51 = tpu.vector_load %arg8[%swap3A_49, %swap3A_50] {strides = array<i32>} : memref<128x128xf32, #tpu.memory_space<vmem>>, vector<1x16xf32>,
        %swap3A_52 = vector.shape_cast %swap3A_51 : vector<1x16xf32> to vector<16xf32>
        %swap3A_53 = vector.shape_cast %broadcast_in_dim3A_48 : vector<16xf32> to vector<1x16xf32>
        tpu.vector_store %arg8[%swap3A_49, %swap3A_50], %swap3A_53 {strides = array<i32>} : memref<128x128xf32, #tpu.memory_space<vmem>>, vector<1x16xf32>,
        %broadcast_in_dim3A_54 = arith.constant 0.000000e+00 : f32
        %broadcast_in_dim3A_55 = vector.broadcast %broadcast_in_dim3A_54 : f32 to vector<16xf32>
        %swap3A_56 = arith.index_cast %scan3A_20 : i32 to index
        %swap3A_57 = arith.constant 80 : index
        %swap3A_58 = tpu.vector_load %arg8[%swap3A_56, %swap3A_57] {strides = array<i32>} : memref<128x128xf32, #tpu.memory_space<vmem>>, vector<1x16xf32>,
        %swap3A_59 = vector.shape_cast %swap3A_58 : vector<1x16xf32> to vector<16xf32>
        %swap3A_60 = vector.shape_cast %broadcast_in_dim3A_55 : vector<16xf32> to vector<1x16xf32>
        tpu.vector_store %arg8[%swap3A_56, %swap3A_57], %swap3A_60 {strides = array<i32>} : memref<128x128xf32, #tpu.memory_space<vmem>>, vector<1x16xf32>,
        %broadcast_in_dim3A_61 = arith.constant 0.000000e+00 : f32
        %broadcast_in_dim3A_62 = vector.broadcast %broadcast_in_dim3A_61 : f32 to vector<16xf32>
        %swap3A_63 = arith.index_cast %scan3A_20 : i32 to index
        %swap3A_64 = arith.constant 96 : index
        %swap3A_65 = tpu.vector_load %arg8[%swap3A_63, %swap3A_64] {strides = array<i32>} : memref<128x128xf32, #tpu.memory_space<vmem>>, vector<1x16xf32>,
        %swap3A_66 = vector.shape_cast %swap3A_65 : vector<1x16xf32> to vector<16xf32>
        %swap3A_67 = vector.shape_cast %broadcast_in_dim3A_62 : vector<16xf32> to vector<1x16xf32>
        tpu.vector_store %arg8[%swap3A_63, %swap3A_64], %swap3A_67 {strides = array<i32>} : memref<128x128xf32, #tpu.memory_space<vmem>>, vector<1x16xf32>,
        %broadcast_in_dim3A_68 = arith.constant 0.000000e+00 : f32
        %broadcast_in_dim3A_69 = vector.broadcast %broadcast_in_dim3A_68 : f32 to vector<16xf32>
        %swap3A_70 = arith.index_cast %scan3A_20 : i32 to index
        %swap3A_71 = arith.constant 112 : index
        %swap3A_72 = tpu.vector_load %arg8[%swap3A_70, %swap3A_71] {strides = array<i32>} : memref<128x128xf32, #tpu.memory_space<vmem>>, vector<1x16xf32>,
        %swap3A_73 = vector.shape_cast %swap3A_72 : vector<1x16xf32> to vector<16xf32>
        %swap3A_74 = vector.shape_cast %broadcast_in_dim3A_69 : vector<16xf32> to vector<1x16xf32>
        tpu.vector_store %arg8[%swap3A_70, %swap3A_71], %swap3A_74 {strides = array<i32>} : memref<128x128xf32, #tpu.memory_space<vmem>>, vector<1x16xf32>,
      }
      %scan3A_5 = arith.constant 128 : i32
      %scan3A_6 = arith.constant 0 : i32
      %scan3A_7 = arith.constant 5 : i32
      %scan3A_8 = arith.addi %scan3A_6, %scan3A_7 : i32
      %scan3A_9 = arith.constant 1 : i32
      scf.for %scan3A_20 = %scan3A_6 to %scan3A_8 step %scan3A_9  : i32 {
        %mul3A_21 = arith.constant 640 : i32
        %mul3A_22 = arith.muli %arg1, %mul3A_21 : i32
        %mul3A_23 = arith.constant 128 : i32
        %mul3A_24 = arith.muli %scan3A_20, %mul3A_23 : i32
        %add3A = arith.addi %mul3A_22, %mul3A_24 : i32
        "tpu.region"() ({
          %run_scoped3A = tpu.sem_alloc : memref<!tpu.dma_semaphore, #tpu.memory_space<semaphore_mem>>
          %dma_start3A = arith.constant 0 : i32
          %dma_start3A_25 = tpu.memref_slice %arg10[%add3A, %dma_start3A] : memref<10240x128xf32, #tpu.memory_space<vmem_shared>> -> memref<128x128xf32, #tpu.memory_space<vmem_shared>>
          %dma_start3A_26 = arith.constant 0 : i32
          %dma_start3A_27 = tpu.memref_slice %arg10[%add3A, %dma_start3A_26] : memref<10240x128xf32, #tpu.memory_space<vmem_shared>> -> memref<128x128xf32, #tpu.memory_space<vmem_shared>>
          tpu.enqueue_dma source(%arg8 : memref<128x128xf32, #tpu.memory_space<vmem>>) target(%dma_start3A_27 : memref<128x128xf32, #tpu.memory_space<vmem_shared>>) target_semaphore(%run_scoped3A : memref<!tpu.dma_semaphore, #tpu.memory_space<semaphore_mem>>)
          %dma_wait3A = arith.constant 0 : i32
          %dma_wait3A_28 = tpu.memref_slice %arg10[%add3A, %dma_wait3A] : memref<10240x128xf32, #tpu.memory_space<vmem_shared>> -> memref<128x128xf32, #tpu.memory_space<vmem_shared>>
          %dma_wait3A_29 = arith.constant 0 : i32
          %dma_wait3A_30 = tpu.memref_slice %arg10[%add3A, %dma_wait3A_29] : memref<10240x128xf32, #tpu.memory_space<vmem_shared>> -> memref<128x128xf32, #tpu.memory_space<vmem_shared>>
          tpu.wait_dma2 semaphore(%run_scoped3A : memref<!tpu.dma_semaphore, #tpu.memory_space<semaphore_mem>>) src(%arg8 : memref<128x128xf32, #tpu.memory_space<vmem>>) dst(%dma_wait3A_30 : memref<128x128xf32, #tpu.memory_space<vmem_shared>>)
          tpu.yield
        }) : () -> ()
      }
      %scan3A_10 = arith.constant 5 : i32
      %barrier3A = arith.constant 0 : index
      tpu.barrier barrier_id(%barrier3A)
      %scan3A_11 = arith.constant 0 : i32
      %scan3A_12 = arith.constant 20 : i32
      %scan3A_13 = arith.addi %scan3A_11, %scan3A_12 : i32
      %scan3A_14 = arith.constant 1 : i32
      scf.for %scan3A_20 = %scan3A_11 to %scan3A_13 step %scan3A_14  : i32 {
        %mul3A_21 = arith.constant 160 : i32
        %mul3A_22 = arith.muli %arg1, %mul3A_21 : i32
        %mul3A_23 = arith.constant 8 : i32
        %mul3A_24 = arith.muli %scan3A_20, %mul3A_23 : i32
        %add3A = arith.addi %mul3A_22, %mul3A_24 : i32
        "tpu.region"() ({
          %run_scoped3A = tpu.sem_alloc : memref<!tpu.dma_semaphore, #tpu.memory_space<semaphore_mem>>
          %dma_start3A_43 = arith.constant 0 : i32
          %dma_start3A_44 = tpu.memref_slice %arg2[%add3A, %dma_start3A_43] : memref<2560x128xi32, #tpu.memory_space<hbm>> -> memref<8x128xi32, #tpu.memory_space<hbm>>
          %dma_start3A_45 = arith.constant 0 : i32
          %dma_start3A_46 = tpu.memref_slice %arg2[%add3A, %dma_start3A_45] : memref<2560x128xi32, #tpu.memory_space<hbm>> -> memref<8x128xi32, #tpu.memory_space<hbm>>
          tpu.enqueue_dma source(%dma_start3A_46 : memref<8x128xi32, #tpu.memory_space<hbm>>) target(%arg6 : memref<8x128xi32, #tpu.memory_space<vmem>>) target_semaphore(%run_scoped3A : memref<!tpu.dma_semaphore, #tpu.memory_space<semaphore_mem>>)
          %dma_wait3A = arith.constant 0 : i32
          %dma_wait3A_47 = tpu.memref_slice %arg2[%add3A, %dma_wait3A] : memref<2560x128xi32, #tpu.memory_space<hbm>> -> memref<8x128xi32, #tpu.memory_space<hbm>>
          %dma_wait3A_48 = arith.constant 0 : i32
          %dma_wait3A_49 = tpu.memref_slice %arg2[%add3A, %dma_wait3A_48] : memref<2560x128xi32, #tpu.memory_space<hbm>> -> memref<8x128xi32, #tpu.memory_space<hbm>>
          tpu.wait_dma2 semaphore(%run_scoped3A : memref<!tpu.dma_semaphore, #tpu.memory_space<semaphore_mem>>) src(%dma_wait3A_49 : memref<8x128xi32, #tpu.memory_space<hbm>>) dst(%arg6 : memref<8x128xi32, #tpu.memory_space<vmem>>)
          tpu.yield
        }) : () -> ()
        "tpu.region"() ({
          %run_scoped3A = tpu.sem_alloc : memref<!tpu.dma_semaphore, #tpu.memory_space<semaphore_mem>>
          %dma_start3A_43 = arith.constant 0 : i32
          %dma_start3A_44 = tpu.memref_slice %arg3[%add3A, %dma_start3A_43] : memref<2560x128xi32, #tpu.memory_space<hbm>> -> memref<8x128xi32, #tpu.memory_space<hbm>>
          %dma_start3A_45 = arith.constant 0 : i32
          %dma_start3A_46 = tpu.memref_slice %arg3[%add3A, %dma_start3A_45] : memref<2560x128xi32, #tpu.memory_space<hbm>> -> memref<8x128xi32, #tpu.memory_space<hbm>>
          tpu.enqueue_dma source(%dma_start3A_46 : memref<8x128xi32, #tpu.memory_space<hbm>>) target(%arg7 : memref<8x128xi32, #tpu.memory_space<vmem>>) target_semaphore(%run_scoped3A : memref<!tpu.dma_semaphore, #tpu.memory_space<semaphore_mem>>)
          %dma_wait3A = arith.constant 0 : i32
          %dma_wait3A_47 = tpu.memref_slice %arg3[%add3A, %dma_wait3A] : memref<2560x128xi32, #tpu.memory_space<hbm>> -> memref<8x128xi32, #tpu.memory_space<hbm>>
          %dma_wait3A_48 = arith.constant 0 : i32
          %dma_wait3A_49 = tpu.memref_slice %arg3[%add3A, %dma_wait3A_48] : memref<2560x128xi32, #tpu.memory_space<hbm>> -> memref<8x128xi32, #tpu.memory_space<hbm>>
          tpu.wait_dma2 semaphore(%run_scoped3A : memref<!tpu.dma_semaphore, #tpu.memory_space<semaphore_mem>>) src(%dma_wait3A_49 : memref<8x128xi32, #tpu.memory_space<hbm>>) dst(%arg7 : memref<8x128xi32, #tpu.memory_space<vmem>>)
          tpu.yield
        }) : () -> ()
        %dma_start3A = arith.constant 0 : i32
        %dma_start3A_25 = arith.constant 0 : i32
        %dma_start3A_26 = tpu.memref_slice %arg6[%dma_start3A, %dma_start3A_25] : memref<8x128xi32, #tpu.memory_space<vmem>> -> memref<1x128xi32, #tpu.memory_space<vmem>>
        %dma_start3A_27 = tpu.memref_squeeze %dma_start3A_26 : memref<1x128xi32, #tpu.memory_space<vmem>> -> memref<128xi32, #tpu.memory_space<vmem>>
        %dma_start3A_28 = arith.constant 0 : i32
        %dma_start3A_29 = arith.constant 0 : i32
        %dma_start3A_30 = tpu.memref_slice %arg4[%dma_start3A_28, %dma_start3A_29] : memref<10240x128xf32, #tpu.memory_space<hbm>> -> memref<10240x128xf32, #tpu.memory_space<hbm>>
        tpu.enqueue_indirect_dma source(%dma_start3A_30 : memref<10240x128xf32, #tpu.memory_space<hbm>>) target(%arg8 : memref<128x128xf32, #tpu.memory_space<vmem>>) offsets(%dma_start3A_27 : memref<128xi32, #tpu.memory_space<vmem>>) semaphore(%arg11 : memref<!tpu.dma_semaphore, #tpu.memory_space<semaphore_mem>>)
        %dma_start3A_31 = arith.constant 1 : i32
        %dma_start3A_32 = arith.constant 0 : i32
        %dma_start3A_33 = tpu.memref_slice %arg6[%dma_start3A_31, %dma_start3A_32] : memref<8x128xi32, #tpu.memory_space<vmem>> -> memref<1x128xi32, #tpu.memory_space<vmem>>
        %dma_start3A_34 = tpu.memref_squeeze %dma_start3A_33 : memref<1x128xi32, #tpu.memory_space<vmem>> -> memref<128xi32, #tpu.memory_space<vmem>>
        %dma_start3A_35 = arith.constant 0 : i32
        %dma_start3A_36 = arith.constant 0 : i32
        %dma_start3A_37 = tpu.memref_slice %arg4[%dma_start3A_35, %dma_start3A_36] : memref<10240x128xf32, #tpu.memory_space<hbm>> -> memref<10240x128xf32, #tpu.memory_space<hbm>>
        tpu.enqueue_indirect_dma source(%dma_start3A_37 : memref<10240x128xf32, #tpu.memory_space<hbm>>) target(%arg9 : memref<128x128xf32, #tpu.memory_space<vmem>>) offsets(%dma_start3A_34 : memref<128xi32, #tpu.memory_space<vmem>>) semaphore(%arg12 : memref<!tpu.dma_semaphore, #tpu.memory_space<semaphore_mem>>)
        %scan3A_38 = arith.constant 0 : i32
        %scan3A_39 = arith.constant 4 : i32
        %scan3A_40 = arith.addi %scan3A_38, %scan3A_39 : i32
        %scan3A_41 = arith.constant 1 : i32
        scf.for %scan3A_43 = %scan3A_38 to %scan3A_40 step %scan3A_41  : i32 {
          %mul3A_44 = arith.constant 2 : i32
          %mul3A_45 = arith.muli %mul3A_44, %scan3A_43 : i32
          %mul3A_46 = arith.constant 2 : i32
          %mul3A_47 = arith.muli %mul3A_46, %scan3A_43 : i32
          %add3A_48 = arith.constant 1 : i32
          %add3A_49 = arith.addi %mul3A_47, %add3A_48 : i32
          %dma_wait3A = arith.constant 0 : i32
          %dma_wait3A_50 = tpu.memref_slice %arg6[%mul3A_45, %dma_wait3A] : memref<8x128xi32, #tpu.memory_space<vmem>> -> memref<1x128xi32, #tpu.memory_space<vmem>>
          %dma_wait3A_51 = tpu.memref_squeeze %dma_wait3A_50 : memref<1x128xi32, #tpu.memory_space<vmem>> -> memref<128xi32, #tpu.memory_space<vmem>>
          %dma_wait3A_52 = arith.constant 0 : i32
          %dma_wait3A_53 = arith.constant 0 : i32
          %dma_wait3A_54 = tpu.memref_slice %arg4[%dma_wait3A_52, %dma_wait3A_53] : memref<10240x128xf32, #tpu.memory_space<hbm>> -> memref<10240x128xf32, #tpu.memory_space<hbm>>
          tpu.wait_indirect_dma semaphore(%arg11 : memref<!tpu.dma_semaphore, #tpu.memory_space<semaphore_mem>>) src(%dma_wait3A_54 : memref<10240x128xf32, #tpu.memory_space<hbm>>) dst(%arg8 : memref<128x128xf32, #tpu.memory_space<vmem>>)
          "tpu.region"() ({
            %run_scoped3A = tpu.sem_alloc : memref<!tpu.dma_semaphore, #tpu.memory_space<semaphore_mem>>
            %dma_start3A_74 = arith.constant 0 : i32
            %dma_start3A_75 = tpu.memref_slice %arg7[%mul3A_45, %dma_start3A_74] : memref<8x128xi32, #tpu.memory_space<vmem>> -> memref<1x128xi32, #tpu.memory_space<vmem>>
            %dma_start3A_76 = tpu.memref_squeeze %dma_start3A_75 : memref<1x128xi32, #tpu.memory_space<vmem>> -> memref<128xi32, #tpu.memory_space<vmem>>
            %dma_start3A_77 = arith.constant 0 : i32
            %dma_start3A_78 = arith.constant 0 : i32
            %dma_start3A_79 = tpu.memref_slice %arg10[%dma_start3A_77, %dma_start3A_78] : memref<10240x128xf32, #tpu.memory_space<vmem_shared>> -> memref<10240x128xf32, #tpu.memory_space<vmem_shared>>
            tpu.enqueue_indirect_dma source(%arg8 : memref<128x128xf32, #tpu.memory_space<vmem>>) target(%dma_start3A_79 : memref<10240x128xf32, #tpu.memory_space<vmem_shared>>) offsets(%dma_start3A_76 : memref<128xi32, #tpu.memory_space<vmem>>) semaphore(%run_scoped3A : memref<!tpu.dma_semaphore, #tpu.memory_space<semaphore_mem>>) {add = true}
            %dma_wait3A_80 = arith.constant 0 : i32
            %dma_wait3A_81 = tpu.memref_slice %arg7[%mul3A_45, %dma_wait3A_80] : memref<8x128xi32, #tpu.memory_space<vmem>> -> memref<1x128xi32, #tpu.memory_space<vmem>>
            %dma_wait3A_82 = tpu.memref_squeeze %dma_wait3A_81 : memref<1x128xi32, #tpu.memory_space<vmem>> -> memref<128xi32, #tpu.memory_space<vmem>>
            %dma_wait3A_83 = arith.constant 0 : i32
            %dma_wait3A_84 = arith.constant 0 : i32
            %dma_wait3A_85 = tpu.memref_slice %arg10[%dma_wait3A_83, %dma_wait3A_84] : memref<10240x128xf32, #tpu.memory_space<vmem_shared>> -> memref<10240x128xf32, #tpu.memory_space<vmem_shared>>
            tpu.wait_indirect_dma semaphore(%run_scoped3A : memref<!tpu.dma_semaphore, #tpu.memory_space<semaphore_mem>>) src(%arg8 : memref<128x128xf32, #tpu.memory_space<vmem>>) dst(%dma_wait3A_85 : memref<10240x128xf32, #tpu.memory_space<vmem_shared>>)
            tpu.yield
          }) : () -> ()
          %add3A_55 = arith.constant 2 : i32
          %add3A_56 = arith.addi %mul3A_45, %add3A_55 : i32
          %lt3A = arith.constant 8 : i32
          %lt3A_57 = arith.cmpi slt, %add3A_56, %lt3A : i32
          %convert_element_type3A_58 = arith.extui %lt3A_57 : i1 to i32
          %cond3A_59 = arith.constant 0 : i32
          %cond3A_60 = arith.cmpi ne, %convert_element_type3A_58, %cond3A_59 : i32
          scf.if %cond3A_60 {
            %add3A_74 = arith.constant 2 : i32
            %add3A_75 = arith.addi %mul3A_45, %add3A_74 : i32
            %dma_start3A_76 = arith.constant 0 : i32
            %dma_start3A_77 = tpu.memref_slice %arg6[%add3A_75, %dma_start3A_76] : memref<8x128xi32, #tpu.memory_space<vmem>> -> memref<1x128xi32, #tpu.memory_space<vmem>>
            %dma_start3A_78 = tpu.memref_squeeze %dma_start3A_77 : memref<1x128xi32, #tpu.memory_space<vmem>> -> memref<128xi32, #tpu.memory_space<vmem>>
            %dma_start3A_79 = arith.constant 0 : i32
            %dma_start3A_80 = arith.constant 0 : i32
            %dma_start3A_81 = tpu.memref_slice %arg4[%dma_start3A_79, %dma_start3A_80] : memref<10240x128xf32, #tpu.memory_space<hbm>> -> memref<10240x128xf32, #tpu.memory_space<hbm>>
            tpu.enqueue_indirect_dma source(%dma_start3A_81 : memref<10240x128xf32, #tpu.memory_space<hbm>>) target(%arg8 : memref<128x128xf32, #tpu.memory_space<vmem>>) offsets(%dma_start3A_78 : memref<128xi32, #tpu.memory_space<vmem>>) semaphore(%arg11 : memref<!tpu.dma_semaphore, #tpu.memory_space<semaphore_mem>>)
          } else {
          }
          %dma_wait3A_61 = arith.constant 0 : i32
          %dma_wait3A_62 = tpu.memref_slice %arg6[%add3A_49, %dma_wait3A_61] : memref<8x128xi32, #tpu.memory_space<vmem>> -> memref<1x128xi32, #tpu.memory_space<vmem>>
          %dma_wait3A_63 = tpu.memref_squeeze %dma_wait3A_62 : memref<1x128xi32, #tpu.memory_space<vmem>> -> memref<128xi32, #tpu.memory_space<vmem>>
          %dma_wait3A_64 = arith.constant 0 : i32
          %dma_wait3A_65 = arith.constant 0 : i32
          %dma_wait3A_66 = tpu.memref_slice %arg4[%dma_wait3A_64, %dma_wait3A_65] : memref<10240x128xf32, #tpu.memory_space<hbm>> -> memref<10240x128xf32, #tpu.memory_space<hbm>>
          tpu.wait_indirect_dma semaphore(%arg12 : memref<!tpu.dma_semaphore, #tpu.memory_space<semaphore_mem>>) src(%dma_wait3A_66 : memref<10240x128xf32, #tpu.memory_space<hbm>>) dst(%arg9 : memref<128x128xf32, #tpu.memory_space<vmem>>)
          "tpu.region"() ({
            %run_scoped3A = tpu.sem_alloc : memref<!tpu.dma_semaphore, #tpu.memory_space<semaphore_mem>>
            %dma_start3A_74 = arith.constant 0 : i32
            %dma_start3A_75 = tpu.memref_slice %arg7[%add3A_49, %dma_start3A_74] : memref<8x128xi32, #tpu.memory_space<vmem>> -> memref<1x128xi32, #tpu.memory_space<vmem>>
            %dma_start3A_76 = tpu.memref_squeeze %dma_start3A_75 : memref<1x128xi32, #tpu.memory_space<vmem>> -> memref<128xi32, #tpu.memory_space<vmem>>
            %dma_start3A_77 = arith.constant 0 : i32
            %dma_start3A_78 = arith.constant 0 : i32
            %dma_start3A_79 = tpu.memref_slice %arg10[%dma_start3A_77, %dma_start3A_78] : memref<10240x128xf32, #tpu.memory_space<vmem_shared>> -> memref<10240x128xf32, #tpu.memory_space<vmem_shared>>
            tpu.enqueue_indirect_dma source(%arg9 : memref<128x128xf32, #tpu.memory_space<vmem>>) target(%dma_start3A_79 : memref<10240x128xf32, #tpu.memory_space<vmem_shared>>) offsets(%dma_start3A_76 : memref<128xi32, #tpu.memory_space<vmem>>) semaphore(%run_scoped3A : memref<!tpu.dma_semaphore, #tpu.memory_space<semaphore_mem>>) {add = true}
            %dma_wait3A_80 = arith.constant 0 : i32
            %dma_wait3A_81 = tpu.memref_slice %arg7[%add3A_49, %dma_wait3A_80] : memref<8x128xi32, #tpu.memory_space<vmem>> -> memref<1x128xi32, #tpu.memory_space<vmem>>
            %dma_wait3A_82 = tpu.memref_squeeze %dma_wait3A_81 : memref<1x128xi32, #tpu.memory_space<vmem>> -> memref<128xi32, #tpu.memory_space<vmem>>
            %dma_wait3A_83 = arith.constant 0 : i32
            %dma_wait3A_84 = arith.constant 0 : i32
            %dma_wait3A_85 = tpu.memref_slice %arg10[%dma_wait3A_83, %dma_wait3A_84] : memref<10240x128xf32, #tpu.memory_space<vmem_shared>> -> memref<10240x128xf32, #tpu.memory_space<vmem_shared>>
            tpu.wait_indirect_dma semaphore(%run_scoped3A : memref<!tpu.dma_semaphore, #tpu.memory_space<semaphore_mem>>) src(%arg9 : memref<128x128xf32, #tpu.memory_space<vmem>>) dst(%dma_wait3A_85 : memref<10240x128xf32, #tpu.memory_space<vmem_shared>>)
            tpu.yield
          }) : () -> ()
          %add3A_67 = arith.constant 2 : i32
          %add3A_68 = arith.addi %add3A_49, %add3A_67 : i32
          %lt3A_69 = arith.constant 8 : i32
          %lt3A_70 = arith.cmpi slt, %add3A_68, %lt3A_69 : i32
          %convert_element_type3A_71 = arith.extui %lt3A_70 : i1 to i32
          %cond3A_72 = arith.constant 0 : i32
          %cond3A_73 = arith.cmpi ne, %convert_element_type3A_71, %cond3A_72 : i32
          scf.if %cond3A_73 {
            %add3A_74 = arith.constant 2 : i32
            %add3A_75 = arith.addi %add3A_49, %add3A_74 : i32
            %dma_start3A_76 = arith.constant 0 : i32
            %dma_start3A_77 = tpu.memref_slice %arg6[%add3A_75, %dma_start3A_76] : memref<8x128xi32, #tpu.memory_space<vmem>> -> memref<1x128xi32, #tpu.memory_space<vmem>>
            %dma_start3A_78 = tpu.memref_squeeze %dma_start3A_77 : memref<1x128xi32, #tpu.memory_space<vmem>> -> memref<128xi32, #tpu.memory_space<vmem>>
            %dma_start3A_79 = arith.constant 0 : i32
            %dma_start3A_80 = arith.constant 0 : i32
            %dma_start3A_81 = tpu.memref_slice %arg4[%dma_start3A_79, %dma_start3A_80] : memref<10240x128xf32, #tpu.memory_space<hbm>> -> memref<10240x128xf32, #tpu.memory_space<hbm>>
            tpu.enqueue_indirect_dma source(%dma_start3A_81 : memref<10240x128xf32, #tpu.memory_space<hbm>>) target(%arg9 : memref<128x128xf32, #tpu.memory_space<vmem>>) offsets(%dma_start3A_78 : memref<128xi32, #tpu.memory_space<vmem>>) semaphore(%arg12 : memref<!tpu.dma_semaphore, #tpu.memory_space<semaphore_mem>>)
          } else {
          }
        }
        %scan3A_42 = arith.constant 4 : i32
      }
      %scan3A_15 = arith.constant 20 : i32
      %barrier3A_16 = arith.constant 0 : index
      tpu.barrier barrier_id(%barrier3A_16)
      %mul3A = arith.constant 640 : i32
      %mul3A_17 = arith.muli %arg1, %mul3A : i32
      %mul3A_18 = arith.constant 640 : i32
      %mul3A_19 = arith.muli %arg1, %mul3A_18 : i32
      "tpu.region"() ({
        %run_scoped3A = tpu.sem_alloc : memref<!tpu.dma_semaphore, #tpu.memory_space<semaphore_mem>>
        %dma_start3A = arith.constant 0 : i32
        %dma_start3A_20 = tpu.memref_slice %arg5[%mul3A_19, %dma_start3A] : memref<10240x128xf32, #tpu.memory_space<hbm>> -> memref<640x128xf32, #tpu.memory_space<hbm>>
        %dma_start3A_21 = arith.constant 0 : i32
        %dma_start3A_22 = tpu.memref_slice %arg10[%mul3A_17, %dma_start3A_21] : memref<10240x128xf32, #tpu.memory_space<vmem_shared>> -> memref<640x128xf32, #tpu.memory_space<vmem_shared>>
        tpu.enqueue_dma source(%dma_start3A_22 : memref<640x128xf32, #tpu.memory_space<vmem_shared>>) target(%dma_start3A_20 : memref<640x128xf32, #tpu.memory_space<hbm>>) target_semaphore(%run_scoped3A : memref<!tpu.dma_semaphore, #tpu.memory_space<semaphore_mem>>)
        %dma_wait3A = arith.constant 0 : i32
        %dma_wait3A_23 = tpu.memref_slice %arg5[%mul3A_19, %dma_wait3A] : memref<10240x128xf32, #tpu.memory_space<hbm>> -> memref<640x128xf32, #tpu.memory_space<hbm>>
        %dma_wait3A_24 = arith.constant 0 : i32
        %dma_wait3A_25 = tpu.memref_slice %arg10[%mul3A_17, %dma_wait3A_24] : memref<10240x128xf32, #tpu.memory_space<vmem_shared>> -> memref<640x128xf32, #tpu.memory_space<vmem_shared>>
        tpu.wait_dma2 semaphore(%run_scoped3A : memref<!tpu.dma_semaphore, #tpu.memory_space<semaphore_mem>>) src(%dma_wait3A_25 : memref<640x128xf32, #tpu.memory_space<vmem_shared>>) dst(%dma_wait3A_23 : memref<640x128xf32, #tpu.memory_space<hbm>>)
        tpu.yield
      }) : () -> ()
    } else {
    }
    return
  }
}

module attributes {stable_mosaic.version = 14 : i64} {
  func.func @_mm1_body(%arg0: i32, %arg1: memref<2x320x128xf32, #tpu.memory_space<vmem>>, %arg2: memref<320x128xf32, #tpu.memory_space<vmem>>, %arg3: memref<128x128xf32, #tpu.memory_space<vmem>>, %arg4: memref<320x128xf32, #tpu.memory_space<vmem>>, %arg5: memref<320x1xf32, #tpu.memory_space<vmem>>) attributes {dimension_semantics = [#tpu.dimension_semantics<arbitrary>], iteration_bounds = array<i64: 32>, scalar_prefetch = 0 : i64, scratch_operands = 0 : i64, tpu.core_type = #tpu.core_type<tc>, window_params = [{transform_indices = @transform_0, window_bounds = array<i64: 2, 320, 128>}, {transform_indices = @transform_1, window_bounds = array<i64: 320, 128>}, {pipeline_mode = #tpu.pipeline_mode<synchronous>, transform_indices = @transform_2, window_bounds = array<i64: 128, 128>}, {transform_indices = @transform_3, window_bounds = array<i64: 320, 128>}, {transform_indices = @transform_4, window_bounds = array<i64: 320, 1>}]} {
    %get3A = arith.constant 0 : index
    %get3A_0 = arith.constant 0 : index
    %get3A_1 = arith.constant 0 : index
    %get3A_2 = vector.load %arg1[%get3A, %get3A_0, %get3A_1] : memref<2x320x128xf32, #tpu.memory_space<vmem>>, vector<2x320x128xf32>
    %slice3A = vector.extract_strided_slice %get3A_2 {offsets = [0, 0, 0], sizes = [1, 320, 1], strides = [1, 1, 1]} : vector<2x320x128xf32> to vector<1x320x1xf32>
    %squeeze3A = vector.shape_cast %slice3A : vector<1x320x1xf32> to vector<320xf32>
    %slice3A_3 = vector.extract_strided_slice %get3A_2 {offsets = [1, 0, 0], sizes = [1, 320, 1], strides = [1, 1, 1]} : vector<2x320x128xf32> to vector<1x320x1xf32>
    %squeeze3A_4 = vector.shape_cast %slice3A_3 : vector<1x320x1xf32> to vector<320xf32>
    %add3A = arith.addf %squeeze3A, %squeeze3A_4 : vector<320xf32>
    %add3A_5 = arith.constant 1.000000e+00 : f32
    %add3A_6 = vector.broadcast %add3A_5 : f32 to vector<320xf32>
    %add3A_7 = arith.addf %add3A, %add3A_6 : vector<320xf32>
    %rsqrt3A = math.rsqrt %add3A_7 : vector<320xf32>
    %get3A_8 = arith.constant 0 : index
    %get3A_9 = arith.constant 0 : index
    %get3A_10 = vector.load %arg2[%get3A_8, %get3A_9] : memref<320x128xf32, #tpu.memory_space<vmem>>, vector<320x128xf32>
    %get3A_11 = arith.constant 0 : index
    %get3A_12 = arith.constant 0 : index
    %get3A_13 = vector.load %arg3[%get3A_11, %get3A_12] : memref<128x128xf32, #tpu.memory_space<vmem>>, vector<128x128xf32>
    %dot_general3A = arith.constant dense<0.000000e+00> : vector<320x128xf32>
    %dot_general3A_14 = tpu.matmul %get3A_10, %get3A_13, %dot_general3A {dimension_numbers = #tpu.dot_dimension_numbers<[1], [0], [0], [1], [0, 0, 1, 1], [], []>, transpose_lhs_hint = false} : vector<320x128xf32>, vector<128x128xf32>, vector<320x128xf32> -> vector<320x128xf32>
    %broadcast_in_dim3A = vector.shape_cast %rsqrt3A : vector<320xf32> to vector<320x1xf32>
    %mul3A = vector.broadcast %broadcast_in_dim3A : vector<320x1xf32> to vector<320x128xf32>
    %mul3A_15 = arith.mulf %dot_general3A_14, %mul3A : vector<320x128xf32>
    %swap3A = arith.constant 0 : index
    %swap3A_16 = arith.constant 0 : index
    %swap3A_17 = vector.load %arg4[%swap3A, %swap3A_16] : memref<320x128xf32, #tpu.memory_space<vmem>>, vector<320x128xf32>
    tpu.vector_store %arg4[%swap3A, %swap3A_16], %mul3A_15 {strides = array<i32>} : memref<320x128xf32, #tpu.memory_space<vmem>>, vector<320x128xf32>,
    %broadcast_in_dim3A_18 = vector.shape_cast %rsqrt3A : vector<320xf32> to vector<320x1xf32>
    %swap3A_19 = arith.constant 0 : index
    %swap3A_20 = arith.constant 0 : index
    %swap3A_21 = vector.load %arg5[%swap3A_19, %swap3A_20] : memref<320x1xf32, #tpu.memory_space<vmem>>, vector<320x1xf32>
    tpu.vector_store %arg5[%swap3A_19, %swap3A_20], %broadcast_in_dim3A_18 {strides = array<i32>} : memref<320x1xf32, #tpu.memory_space<vmem>>, vector<320x1xf32>,
    return
  }
  func.func @transform_0(%arg0: i32) -> (i32, i32, i32) {
    %c0_i32 = arith.constant 0 : i32
    %c0_i32_0 = arith.constant 0 : i32
    %c0_i32_1 = arith.constant 0 : i32
    return %c0_i32, %arg0, %c0_i32_0 : i32, i32, i32
  }
  func.func @transform_1(%arg0: i32) -> (i32, i32) {
    %c0_i32 = arith.constant 0 : i32
    %c0_i32_0 = arith.constant 0 : i32
    return %arg0, %c0_i32 : i32, i32
  }
  func.func @transform_2(%arg0: i32) -> (i32, i32) {
    %c0_i32 = arith.constant 0 : i32
    %c0_i32_0 = arith.constant 0 : i32
    %c0_i32_1 = arith.constant 0 : i32
    return %c0_i32, %c0_i32_0 : i32, i32
  }
  func.func @transform_3(%arg0: i32) -> (i32, i32) {
    %c0_i32 = arith.constant 0 : i32
    %c0_i32_0 = arith.constant 0 : i32
    return %arg0, %c0_i32 : i32, i32
  }
  func.func @transform_4(%arg0: i32) -> (i32, i32) {
    %c0_i32 = arith.constant 0 : i32
    %c0_i32_0 = arith.constant 0 : i32
    return %arg0, %c0_i32 : i32, i32
  }
}

module attributes {stable_mosaic.version = 14 : i64} {
  func.func @_out_body(%arg0: i32, %arg1: memref<400x128xf32, #tpu.memory_space<vmem>>, %arg2: memref<400x128xf32, #tpu.memory_space<vmem>>, %arg3: memref<400x1xf32, #tpu.memory_space<vmem>>, %arg4: memref<1x128xf32, #tpu.memory_space<vmem>>, %arg5: memref<400x128xf32, #tpu.memory_space<vmem>>) attributes {dimension_semantics = [#tpu.dimension_semantics<arbitrary>], iteration_bounds = array<i64: 25>, scalar_prefetch = 0 : i64, scratch_operands = 0 : i64, tpu.core_type = #tpu.core_type<tc>, window_params = [{transform_indices = @transform_0, window_bounds = array<i64: 400, 128>}, {transform_indices = @transform_1, window_bounds = array<i64: 400, 128>}, {transform_indices = @transform_2, window_bounds = array<i64: 400, 1>}, {pipeline_mode = #tpu.pipeline_mode<synchronous>, transform_indices = @transform_3, window_bounds = array<i64: 1, 128>}, {transform_indices = @transform_4, window_bounds = array<i64: 400, 128>}]} {
    %get3A = arith.constant 0 : index
    %get3A_0 = arith.constant 0 : index
    %get3A_1 = vector.load %arg1[%get3A, %get3A_0] : memref<400x128xf32, #tpu.memory_space<vmem>>, vector<400x128xf32>
    %get3A_2 = arith.constant 0 : index
    %get3A_3 = arith.constant 0 : index
    %get3A_4 = vector.load %arg2[%get3A_2, %get3A_3] : memref<400x128xf32, #tpu.memory_space<vmem>>, vector<400x128xf32>
    %add3A = arith.addf %get3A_1, %get3A_4 : vector<400x128xf32>
    %get3A_5 = arith.constant 0 : index
    %get3A_6 = arith.constant 0 : index
    %get3A_7 = vector.load %arg3[%get3A_5, %get3A_6] : memref<400x1xf32, #tpu.memory_space<vmem>>, vector<400x1xf32>
    %mul3A = vector.broadcast %get3A_7 : vector<400x1xf32> to vector<400x128xf32>
    %mul3A_8 = arith.mulf %add3A, %mul3A : vector<400x128xf32>
    %get3A_9 = arith.constant 0 : index
    %get3A_10 = arith.constant 0 : index
    %get3A_11 = vector.load %arg4[%get3A_9, %get3A_10] : memref<1x128xf32, #tpu.memory_space<vmem>>, vector<1x128xf32>
    %add3A_12 = vector.broadcast %get3A_11 : vector<1x128xf32> to vector<400x128xf32>
    %add3A_13 = arith.addf %mul3A_8, %add3A_12 : vector<400x128xf32>
    %swap3A = arith.constant 0 : index
    %swap3A_14 = arith.constant 0 : index
    %swap3A_15 = vector.load %arg5[%swap3A, %swap3A_14] : memref<400x128xf32, #tpu.memory_space<vmem>>, vector<400x128xf32>
    tpu.vector_store %arg5[%swap3A, %swap3A_14], %add3A_13 {strides = array<i32>} : memref<400x128xf32, #tpu.memory_space<vmem>>, vector<400x128xf32>,
    return
  }
  func.func @transform_0(%arg0: i32) -> (i32, i32) {
    %c0_i32 = arith.constant 0 : i32
    %c0_i32_0 = arith.constant 0 : i32
    return %arg0, %c0_i32 : i32, i32
  }
  func.func @transform_1(%arg0: i32) -> (i32, i32) {
    %c0_i32 = arith.constant 0 : i32
    %c0_i32_0 = arith.constant 0 : i32
    return %arg0, %c0_i32 : i32, i32
  }
  func.func @transform_2(%arg0: i32) -> (i32, i32) {
    %c0_i32 = arith.constant 0 : i32
    %c0_i32_0 = arith.constant 0 : i32
    return %arg0, %c0_i32 : i32, i32
  }
  func.func @transform_3(%arg0: i32) -> (i32, i32) {
    %c0_i32 = arith.constant 0 : i32
    %c0_i32_0 = arith.constant 0 : i32
    %c0_i32_1 = arith.constant 0 : i32
    return %c0_i32, %c0_i32_0 : i32, i32
  }
  func.func @transform_4(%arg0: i32) -> (i32, i32) {
    %c0_i32 = arith.constant 0 : i32
    %c0_i32_0 = arith.constant 0 : i32
    return %arg0, %c0_i32 : i32, i32
  }
}

module attributes {stable_mosaic.version = 14 : i64} {
  func.func @_mm2_body(%arg0: i32, %arg1: memref<320x128xf32, #tpu.memory_space<vmem>>, %arg2: memref<320x128xf32, #tpu.memory_space<vmem>>, %arg3: memref<320x1xf32, #tpu.memory_space<vmem>>, %arg4: memref<1x128xf32, #tpu.memory_space<vmem>>, %arg5: memref<128x128xf32, #tpu.memory_space<vmem>>, %arg6: memref<320x128xf32, #tpu.memory_space<vmem>>) attributes {dimension_semantics = [#tpu.dimension_semantics<arbitrary>], iteration_bounds = array<i64: 32>, scalar_prefetch = 0 : i64, scratch_operands = 0 : i64, tpu.core_type = #tpu.core_type<tc>, window_params = [{transform_indices = @transform_0, window_bounds = array<i64: 320, 128>}, {transform_indices = @transform_1, window_bounds = array<i64: 320, 128>}, {transform_indices = @transform_2, window_bounds = array<i64: 320, 1>}, {pipeline_mode = #tpu.pipeline_mode<synchronous>, transform_indices = @transform_3, window_bounds = array<i64: 1, 128>}, {pipeline_mode = #tpu.pipeline_mode<synchronous>, transform_indices = @transform_4, window_bounds = array<i64: 128, 128>}, {transform_indices = @transform_5, window_bounds = array<i64: 320, 128>}]} {
    %get3A = arith.constant 0 : index
    %get3A_0 = arith.constant 0 : index
    %get3A_1 = vector.load %arg3[%get3A, %get3A_0] : memref<320x1xf32, #tpu.memory_space<vmem>>, vector<320x1xf32>
    %get3A_2 = arith.constant 0 : index
    %get3A_3 = arith.constant 0 : index
    %get3A_4 = vector.load %arg1[%get3A_2, %get3A_3] : memref<320x128xf32, #tpu.memory_space<vmem>>, vector<320x128xf32>
    %get3A_5 = arith.constant 0 : index
    %get3A_6 = arith.constant 0 : index
    %get3A_7 = vector.load %arg2[%get3A_5, %get3A_6] : memref<320x128xf32, #tpu.memory_space<vmem>>, vector<320x128xf32>
    %add3A = arith.addf %get3A_4, %get3A_7 : vector<320x128xf32>
    %mul3A = vector.broadcast %get3A_1 : vector<320x1xf32> to vector<320x128xf32>
    %mul3A_8 = arith.mulf %add3A, %mul3A : vector<320x128xf32>
    %get3A_9 = arith.constant 0 : index
    %get3A_10 = arith.constant 0 : index
    %get3A_11 = vector.load %arg4[%get3A_9, %get3A_10] : memref<1x128xf32, #tpu.memory_space<vmem>>, vector<1x128xf32>
    %add3A_12 = vector.broadcast %get3A_11 : vector<1x128xf32> to vector<320x128xf32>
    %add3A_13 = arith.addf %mul3A_8, %add3A_12 : vector<320x128xf32>
    %max3A = arith.constant 0.000000e+00 : f32
    %max3A_14 = vector.broadcast %max3A : f32 to vector<320x128xf32>
    %max3A_15 = arith.maximumf %add3A_13, %max3A_14 : vector<320x128xf32>
    %get3A_16 = arith.constant 0 : index
    %get3A_17 = arith.constant 0 : index
    %get3A_18 = vector.load %arg5[%get3A_16, %get3A_17] : memref<128x128xf32, #tpu.memory_space<vmem>>, vector<128x128xf32>
    %dot_general3A = arith.constant dense<0.000000e+00> : vector<320x128xf32>
    %dot_general3A_19 = tpu.matmul %max3A_15, %get3A_18, %dot_general3A {dimension_numbers = #tpu.dot_dimension_numbers<[1], [0], [0], [1], [0, 0, 1, 1], [], []>, transpose_lhs_hint = false} : vector<320x128xf32>, vector<128x128xf32>, vector<320x128xf32> -> vector<320x128xf32>
    %mul3A_20 = vector.broadcast %get3A_1 : vector<320x1xf32> to vector<320x128xf32>
    %mul3A_21 = arith.mulf %dot_general3A_19, %mul3A_20 : vector<320x128xf32>
    %swap3A = arith.constant 0 : index
    %swap3A_22 = arith.constant 0 : index
    %swap3A_23 = vector.load %arg6[%swap3A, %swap3A_22] : memref<320x128xf32, #tpu.memory_space<vmem>>, vector<320x128xf32>
    tpu.vector_store %arg6[%swap3A, %swap3A_22], %mul3A_21 {strides = array<i32>} : memref<320x128xf32, #tpu.memory_space<vmem>>, vector<320x128xf32>,
    return
  }
  func.func @transform_0(%arg0: i32) -> (i32, i32) {
    %c0_i32 = arith.constant 0 : i32
    %c0_i32_0 = arith.constant 0 : i32
    return %arg0, %c0_i32 : i32, i32
  }
  func.func @transform_1(%arg0: i32) -> (i32, i32) {
    %c0_i32 = arith.constant 0 : i32
    %c0_i32_0 = arith.constant 0 : i32
    return %arg0, %c0_i32 : i32, i32
  }
  func.func @transform_2(%arg0: i32) -> (i32, i32) {
    %c0_i32 = arith.constant 0 : i32
    %c0_i32_0 = arith.constant 0 : i32
    return %arg0, %c0_i32 : i32, i32
  }
  func.func @transform_3(%arg0: i32) -> (i32, i32) {
    %c0_i32 = arith.constant 0 : i32
    %c0_i32_0 = arith.constant 0 : i32
    %c0_i32_1 = arith.constant 0 : i32
    return %c0_i32, %c0_i32_0 : i32, i32
  }
  func.func @transform_4(%arg0: i32) -> (i32, i32) {
    %c0_i32 = arith.constant 0 : i32
    %c0_i32_0 = arith.constant 0 : i32
    %c0_i32_1 = arith.constant 0 : i32
    return %c0_i32, %c0_i32_0 : i32, i32
  }
  func.func @transform_5(%arg0: i32) -> (i32, i32) {
    %c0_i32 = arith.constant 0 : i32
    %c0_i32_0 = arith.constant 0 : i32
    return %arg0, %c0_i32 : i32, i32
  }
}

</mosaic_0001>

<sc_bundles>
// kernel: kernel.11.cloned.1.call-start
scs
__scs_entry_jumppad:
0x0: {  	(pc) =	sbr.rel $0x88, $3  }
0x1: {  	(tag) =	ssettag $0x0;
	lr =	simm.s32 $0x1  }
0x2: {  	[smem:$0x3F9B] =	sst lr;
	_ =	strace $0xD0000000  }
0x3: {  	_ = 	snop  }
0x4: {  	_ = 	snop  }
0x5: {  	_ = 	snop  }
0x6: {  	_ = 	snop  }
0x7: {  	_ = 	snop  }
__scs_overlays_trampoline_lowered:
0x8: {  	[smem:$0x3FAA] =	sst s0  }
0x9: {  	[smem:$0x3FAB] =	sst s1  }
0xa: {  	[smem:$0x3FAC] =	sst s2  }
0xb: {  	[smem:$0x3FAD] =	sst s3  }
0xc: {  	[smem:$0x3FAE] =	sst s4  }
0xd: {  	[smem:$0x3FAF] =	sst s5  }
0xe: {  	[smem:$0x3FB0] =	sst s6  }
0xf: {  	[smem:$0x3FB1] =	sst s7  }
0x10: {  	[smem:$0x3FB2] =	sst s8  }
0x11: {  	[smem:$0x3FB3] =	sst s9;
	s0 =	simm.s32 @!p0 $0x0  }
0x12: {  	s1 =	sld [smem:$0x3F99];
	s0 =	simm.s32 @p0 $0x1  }
0x13: {  	[smem:$0x3FB4] =	sst s0;
	s0 =	simm.s32 @!p1 $0x0  }
0x14: {  	s2 =	sld [smem:$0x3F98];
	s0 =	simm.s32 @p1 $0x1  }
0x15: {  	[smem:$0x3FB5] =	sst s0;
	s0 =	simm.s32 @!p2 $0x0  }
0x16: {  	s3 =	sld [smem:$0x3FDB];
	s0 =	simm.s32 @p2 $0x1  }
0x17: {  	s4 =	simm.s32 $0x1BF5;
	[smem:$0x3FB7] =	sst s0  }
0x18: {  	s0 =	sld [smem:$0x3F9A];
	_ =	swait.ge [sflag:s4], $0x0  }
0x19: {  	s7 =	sld [smem:$0x3F9B]  }
0x1a: {  	s8 =	sadd.s32 $0xFFFFE003, lr  }
0x1b: {  	s9 =	sadd.s32 $0xFFFFFEF7, lr;
	s5 =	simm.s32 $0xFFFFFFFF;
	p2 =	slt.u32 s8, $0xFFFFF086  }
0x1c: {  	p1 =	slt.u32 s9, $0xF7A;
	s5 =	simm.s32 @!p2 $0x0  }
0x1d: {  	s5 =	simm.s32 @p1 $0x1;
	p0 =	seq.s32 s7, s2  }
0x1e: {  	s7 =	smul.u32 @!p0 $0xF7A, s2;
	p2 =	seq.s32 @!p0 s5, $0x0  }
0x1f: {  	s9 =	smul.u32 $0xF7A, s1;
	s8 =	simm.s32 @!p0 $0x1BF5;
	p2 =	por !p2, p0  }
0x20: {  	[sflag:s8] =	ssyncset.s32 @!p0 $0xFFFFF086;
	s6 =	sadd.s32 @!p0 s3, s7;
	s7 =	simm.s32 @!p0 $0x108  }
0x21: {  	s3 =	sadd.s32 s3, s9;
	s6 =	sadd.s32 @!p0 $0x88, s6;
	s7 =	simm.s32 @p2 $0x1082  }
0x22: {  	[simem:s7], [sflag:s8] =	dma.local @!p0 [hbm:s6], $0xF7A  }
0x23: {  	s9 =	sor.u32 $0xD0000000, s2;
	s6 =	simm.s32 $0x108;
	_ =	swait.ge @!p0 [sflag:s8], $0x0  }
0x24: {  	s3 =	sadd.s32 $0x88, s3;
	s6 =	simm.s32 @!p1 $0x1082;
	[sflag:s4] =	ssyncset.s32 $0xFFFFF086  }
0x25: {  	[simem:s6], [sflag:s4] =	dma.local [hbm:s3], $0xF7A  }
0x26: {  	[smem:$0x3F9B] =	sst s1;
	(tag) =	ssettag s2;
	_ =	strace s9  }
0x27: {  	s1 =	sld [smem:$0x3FAB]  }
0x28: {  	s2 =	sld [smem:$0x3FAC]  }
0x29: {  	s4 =	sld [smem:$0x3FAE]  }
0x2a: {  	p0 =	seq.s32 s5, $0x0;
	s5 =	sld [smem:$0x3FAF]  }
0x2b: {  	s6 =	sld [smem:$0x3FB0]  }
0x2c: {  	s7 =	sld [smem:$0x3FB1]  }
0x2d: {  	s3 =	simm.s32 $0x108;
	s8 =	sld [smem:$0x3FB2]  }
0x2e: {  	s3 =	simm.s32 @!p0 $0x1082;
	s9 =	sld [smem:$0x3FB3]  }
0x2f: {  	lr =	sadd.s32 s0, s3;
	s0 =	sld [smem:$0x3FAA]  }
0x30: {  	s3 =	sld [smem:$0x3FAD]  }
0x31: {  	[smem:$0x3FB6] =	sst s10  }
0x32: {  	s10 =	sld [smem:$0x3FB4];
	_ =	sdelay $0x3  }
0x33: {  	p0 =	seq.s32 s10, $0x1;
	s10 =	sld [smem:$0x3FB6];
	_ =	sdelay $0x3  }
0x34: {  	[smem:$0x3FB6] =	sst s10  }
0x35: {  	s10 =	sld [smem:$0x3FB5];
	_ =	sdelay $0x3  }
0x36: {  	p1 =	seq.s32 s10, $0x1;
	s10 =	sld [smem:$0x3FB6];
	_ =	sdelay $0x3  }
0x37: {  	[smem:$0x3FB6] =	sst s10  }
0x38: {  	s10 =	sld [smem:$0x3FB7]  }
0x39: {  	_ = 	snop;
	(pc) =	sbr.ind lr, $3  }
0x3a: {  	_ = 	snop  }
0x3b: {  	_ = 	snop  }
0x3c: {  	p2 =	seq.s32 s10, $0x1;
	s10 =	sld [smem:$0x3FB6]  }
0x3d: {  	_ =	shalt  }
0x3e: {  	_ =	shalt  }
0x3f: {  	_ =	shalt  }
0x40: {  	_ =	shalt  }
0x41: {  	_ =	shalt  }
0x42: {  	_ =	shalt  }
0x43: {  	_ =	shalt  }
0x44: {  	_ =	shalt  }
0x45: {  	_ =	shalt  }
0x46: {  	_ =	shalt  }
0x47: {  	_ =	shalt  }
0x48: {  	_ =	shalt  }
0x49: {  	_ =	shalt  }
0x4a: {  	_ =	shalt  }
0x4b: {  	_ =	shalt  }
0x4c: {  	_ =	shalt  }
0x4d: {  	_ =	shalt  }
0x4e: {  	_ =	shalt  }
0x4f: {  	_ =	shalt  }
0x50: {  	_ =	shalt  }
0x51: {  	_ =	shalt  }
0x52: {  	_ =	shalt  }
0x53: {  	_ =	shalt  }
0x54: {  	_ =	shalt  }
0x55: {  	_ =	shalt  }
0x56: {  	_ =	shalt  }
0x57: {  	_ =	shalt  }
0x58: {  	_ =	shalt  }
0x59: {  	_ =	shalt  }
0x5a: {  	_ =	shalt  }
0x5b: {  	_ =	shalt  }
0x5c: {  	_ =	shalt  }
0x5d: {  	_ =	shalt  }
0x5e: {  	_ =	shalt  }
0x5f: {  	_ =	shalt  }
0x60: {  	_ =	shalt  }
0x61: {  	_ =	shalt  }
0x62: {  	_ =	shalt  }
0x63: {  	_ =	shalt  }
0x64: {  	_ =	shalt  }
0x65: {  	_ =	shalt  }
0x66: {  	_ =	shalt  }
0x67: {  	_ =	shalt  }
0x68: {  	_ =	shalt  }
0x69: {  	_ =	shalt  }
0x6a: {  	_ =	shalt  }
0x6b: {  	_ =	shalt  }
0x6c: {  	_ =	shalt  }
0x6d: {  	_ =	shalt  }
0x6e: {  	_ =	shalt  }
0x6f: {  	_ =	shalt  }
0x70: {  	_ =	shalt  }
0x71: {  	_ =	shalt  }
0x72: {  	_ =	shalt  }
0x73: {  	_ =	shalt  }
0x74: {  	_ =	shalt  }
0x75: {  	_ =	shalt  }
0x76: {  	_ =	shalt  }
0x77: {  	_ =	shalt  }
0x78: {  	_ =	shalt  }
0x79: {  	_ =	shalt  }
0x7a: {  	_ =	shalt  }
0x7b: {  	_ =	shalt  }
0x7c: {  	_ =	shalt  }
0x7d: {  	_ =	shalt  }
0x7e: {  	_ =	shalt  }
0x7f: {  	_ =	shalt  }
0x80: {  	_ =	shalt  }
0x81: {  	_ =	shalt  }
0x82: {  	_ =	shalt  }
0x83: {  	_ =	shalt  }
0x84: {  	_ =	shalt  }
0x85: {  	_ =	shalt  }
0x86: {  	_ =	shalt  }
0x87: {  	_ =	shalt  }
.Lfunc_end0:
.L_simem_size_0:
called_computation.1_lowered:
.L_overlay_start_0:
0x88: {  	s2 =	sld [smem:$0x3FD9]  }
0x89: {  	s3 =	sld [smem:$0x3FFE];
	_ =	sdelay $0x1  }
0x8a: {  	s1 =	srdreg.scid  }
0x8b: {  	s0 =	sand.u32 $0x1, s1  }
0x8c: {  	s17 =	sshll.u32 s0, $0xA;
	s2 =	sadd.s32 s3, s2  }
0x8d: {  	s2 =	sadd.s32 s2, s17  }
0x8e: {  	[smem:$0x3FC2] =	sst s2  }
0x8f: {  	_ = 	snop  }
0x90: {  	s2 =	sld [smem:$0x3FD0];
	(tm) =	ssettm $0x1  }
0x91: {  	s18 =	sld [smem:$0x3FFB];
	_ =	sdelay $0x3  }
0x92: {  	_ =	strace s18  }
0x93: {  	s3 =	sld [smem:$0x3FFC];
	_ =	sdelay $0x3  }
0x94: {  	_ =	strace s3  }
0x95: {  	s3 =	sld [smem:$0x3FFD];
	_ =	sdelay $0x3  }
0x96: {  	_ =	strace s3  }
0x97: {  	_ =	strace $0x8FFFFFFF  }
0x98: {  	s19 =	sld [smem:$0x3FDB];
	_ =	sdelay $0x1  }
0x99: {  	s4 =	simm.s32 $_scs_section_size  }
0x9a: {  	s5 =	simm.s32 $_size__tile_overlayer_lowered;
	s6 =	simm.s32 $_tile_overlayer_lowered  }
0x9b: {  	s22 =	simm.s32 $0x1BFF;
	s21 =	sshll.u32 s6, $0x1;
	s3 =	sadd.s32 s4, s19  }
0x9c: {  	s7 =	simm.s32 $0x0;
	s20 =	sshll.u32 s5, $0x1;
	s5 =	sadd.s32 s21, s3  }
0x9d: {  	[timem:s7], [sflag:s22] =	dma.local [hbm:s5], s20  }
0x9e: {  	_ =	swait.ge [sflag:s22], s20  }
0x9f: {  	s4 =	ssub.s32 $0x0, s20;
	[sflag:s22] =	ssyncset.done $0x0  }
0xa0: {  	[sflag:s22] =	ssyncadd.s32 s4;
	_ =	sdelay $0x1  }
0xa1: {  	s23 =	simm.s32 $0x1B8B  }
0xa2: {  	_ =	swait.ge [sflag:s23], $0x1  }
0xa3: {  	[sflag:s23] =	ssyncset.done $0x0  }
0xa4: {  	s25 =	simm.s32 $0x1B8E;
	s24 =	sld [smem:$0x3FFE];
	[sflag:s23] =	ssyncadd.s32 $0xFFFFFFFF  }
0xa5: {  	s26 =	simm.s32 $execute0_lowered;
	[smem:$0x3FD2] =	sst s25  }
0xa6: {  	s5 =	sshll.u32 s26, $0x1;
	_ =	strace $0x80000049;
	[dreg:$0x1] =	wrdreg $0xFFFFFFFF  }
0xa7: {  	s28 =	simm.s32 $_size_execute0_lowered;
	s3 =	sadd.s32 s3, s5;
	[dreg:$0x0] =	wrdreg $0x0  }
0xa8: {  	s5 =	sshll.u32 s28, $0x1;
	[dreg:$0x2] =	wrdreg s3  }
0xa9: {  	[dreg:$0x3] =	wrdreg s5  }
0xaa: {  	[dreg:$0x4] =	wrdreg $0xC0  }
0xab: {  	_ =	task [dreg:s7], $0x5FFFF  }
0xac: {  	[dreg:$0x1] =	wrdreg $0xFFFFFFFF  }
0xad: {  	[dreg:$0x0] =	wrdreg $0x60  }
0xae: {  	[dreg:$0x2] =	wrdreg s2  }
0xaf: {  	[dreg:$0x3] =	wrdreg s24  }
0xb0: {  	[dreg:$0x4] =	wrdreg $0x88000  }
0xb1: {  	[dreg:$0x5] =	wrdreg $0x9  }
0xb2: {  	_ =	task.clear_ibuf [dreg:s7], $0x6FFFF;
	_ =	strace $0x90000049  }
0xb3: {  	s29 =	simm.s32 $0x9;
	_ =	strace $0x8000004B  }
0xb4: {  	_ =	swait.ge [sflag:s29], $0x1  }
0xb5: {  	[sflag:s29] =	ssyncadd.s32 $0xFFFFFFFF  }
0xb6: {  	_ =	strace $0x9000004B  }
0xb7: {  	_ =	sfence  }
0xb8: {  	s30 =	sld [smem:$0x0];
	_ =	sdelay $0x2  }
0xb9: {  	s31 =	sshll.u32 s1, $0xD;
	s1 =	sshrl.u32 s1, $0x2  }
0xba: {  	s3 =	sand.u32 $0x4000, s31;
	s1 =	sadd.s32 s1, s30  }
0xbb: {  	s0 =	sor.u32 s3, s0;
	s1 =	sshll.u32 s1, $0x11  }
0xbc: {  	s0 =	sor.u32 s1, s0  }
0xbd: {  	s0 =	sadd.s32 $0x8F2B, s0  }
0xbe: {  	[sflag:s0] =	ssyncadd.remote.s32 $0x1  }
0xbf: {  	_ =	sfence.sel $0xFFFF  }
0xc0: {  	[dreg:$0x0] =	wrdreg $0xFFFFFFFF;
	(pc) =	sbr.abs _section_cstart, $3  }
0xc1: {  	[dreg:$0x1] =	wrdreg $0xFFFFFFFF  }
0xc2: {  	_ =	task.clear_ibuf [dreg:s7], $0x2FFFF;
	_ =	strace $0x9FFFFFFF  }
0xc3: {  	(tm) =	ssettm $0x7FFFFFFF  }
tec
execute0_lowered:
.L_overlay_start_1:
0x0: {  	(tag) =	ssettag $0x1  }
0x1: {  	s0 =	srdreg.scid  }
0x2: {  	s0 =	sand.u32 $0x1, s0  }
0x3: {  	p0 =	seq.s32 s0, $0x1  }
.Ltmp0:
0x4: {  	s8 =	rddreg [dreg:$0x0];
	(pc) =	sbr.rel @p0 .LBB2_6-.Ltmp0, $4  }
0x5: {  	s3 =	rddreg [dreg:$0x1]  }
0x6: {  	s2 =	rddreg [dreg:$0x2];
	s1 =	simm.s32 $0x0  }
0x7: {  	[smem:$0x7FF] =	sst s1  }
0x8: {  	s4 =	rddreg [dreg:$0x3];
	s14 =	stileid.u32;
	_ =	strace $0x8000004A  }
0x9: {  	s0 =	smul.u32 $0x2800, s14  }
0xa: {  	s4 =	smul.u32 $0x50000, s14  }
0xb: {  	s9 =	sadd.s32 $0x2A00, s3  }
0xc: {  	s5 =	sadd.s32 $0xCA00, s3;
	s0 =	sadd.s32 s0, s3;
	s4 =	sshrl.u32 s4, $0x2  }
0xd: {  	s6 =	simm.s32 $0x0;
	s3 =	sadd.s32 s4, s2;
	s0 =	sadd.s32 $0x34A00, s0  }
0xe: {  	s7 =	simm.s32 $0x200;
	[dreg:$0x4] =	wrdreg s0;
	s13 =	sadd.s32 $0x4000, s3  }
0xf: {  	v0 =	vimm.f32 $0.0e+00;
	s12 =	sadd.s32 $0x8000, s3;
	s11 =	sadd.s32 $0xC000, s3;
	s10 =	sadd.s32 $0x10000, s3  }
.LBB2_2:
0x10: {  	p0 =	sne.s32 s7, $0xFE00;
	[tilespmem:s6+$0x870] =	vst v0  }
0x11: {  	[tilespmem:s6+$0x800] =	vst v0  }
0x12: {  	[tilespmem:s6+$0x810] =	vst v0  }
.Ltmp1:
0x13: {  	[tilespmem:s6+$0x820] =	vst v0;
	(pc) =	sbr.rel @p0 .LBB2_2-.Ltmp1, $4  }
0x14: {  	[tilespmem:s6+$0x830] =	vst v0  }
0x15: {  	[tilespmem:s6+$0x840] =	vst v0  }
0x16: {  	[tilespmem:s6+$0x850] =	vst v0  }
0x17: {  	[tilespmem:s6+$0x860] =	vst v0;
	s6 =	sshra.s32 s7, $0x2;
	s7 =	sadd.s32 $0x200, s7  }
0x18: {  	[tilespmem:s6+$0x870] =	vst v0  }
0x19: {  	[tilespmem:s6+$0x800] =	vst v0  }
0x1a: {  	[tilespmem:s6+$0x810] =	vst v0  }
0x1b: {  	[tilespmem:s6+$0x820] =	vst v0  }
0x1c: {  	[tilespmem:s6+$0x830] =	vst v0  }
0x1d: {  	[tilespmem:s6+$0x840] =	vst v0  }
0x1e: {  	[tilespmem:s6+$0x850] =	vst v0  }
0x1f: {  	[tilespmem:s6+$0x860] =	vst v0;
	s7 =	simm.s32 $0x800;
	s6 =	simm.s32 $0x3  }
0x20: {  	[spmem:s3] =	stream.linear.scatter [tilespmem:s7], [sflag:$0x3], $0x4000, $0x38;
	[tilespmem:$0x1C800] =	vst v63  }
0x21: {  	_ =	swait.ge [sflag:s6], $0x4000  }
0x22: {  	[sflag:s6] =	ssyncset.done $0x0  }
0x23: {  	[sflag:s6] =	ssyncadd.s32 $0xFFFFC000  }
0x24: {  	[spmem:s13] =	stream.linear.scatter [tilespmem:s7], [sflag:$0x3], $0x4000, $0x38;
	[tilespmem:$0x1C800] =	vst v63  }
0x25: {  	_ =	swait.ge [sflag:s6], $0x4000  }
0x26: {  	[sflag:s6] =	ssyncset.done $0x0  }
0x27: {  	[sflag:s6] =	ssyncadd.s32 $0xFFFFC000  }
0x28: {  	[spmem:s12] =	stream.linear.scatter [tilespmem:s7], [sflag:$0x3], $0x4000, $0x38;
	[tilespmem:$0x1C800] =	vst v63  }
0x29: {  	_ =	swait.ge [sflag:s6], $0x4000  }
0x2a: {  	[sflag:s6] =	ssyncset.done $0x0  }
0x2b: {  	[sflag:s6] =	ssyncadd.s32 $0xFFFFC000  }
0x2c: {  	[spmem:s11] =	stream.linear.scatter [tilespmem:s7], [sflag:$0x3], $0x4000, $0x38;
	[tilespmem:$0x1C800] =	vst v63  }
0x2d: {  	_ =	swait.ge [sflag:s6], $0x4000  }
0x2e: {  	[sflag:s6] =	ssyncset.done $0x0  }
0x2f: {  	[sflag:s6] =	ssyncadd.s32 $0xFFFFC000  }
0x30: {  	[spmem:s10] =	stream.linear.scatter [tilespmem:s7], [sflag:$0x3], $0x4000, $0x38;
	[tilespmem:$0x1C800] =	vst v63  }
0x31: {  	s0 =	smul.u32 $0xA00, s14;
	_ =	swait.ge [sflag:s6], $0x4000  }
0x32: {  	[sflag:s6] =	ssyncset.done $0x0  }
0x33: {  	s14 =	sadd.s32 s0, s8;
	[sflag:s6] =	ssyncadd.s32 $0xFFFFC000  }
0x34: {  	s8 =	sadd.s32 $0x0, s14;
	s12 =	simm.s32 $0x0;
	[bflag:$0x0] =	sbarrier.arrive $0xFFFF  }
0x35: {  	[tilespmem:s12], [sflag:$0x3] =	stream.linear.gather [hbm4b:s8+s12], $0x400, $0x38;
	[tilespmem:$0x1C800] =	vst v63  }
0x36: {  	_ =	swait.ge [sflag:s6], $0x400  }
0x37: {  	s15 =	sadd.s32 s0, s9;
	[sflag:s6] =	ssyncset.done $0x0  }
0x38: {  	s0 =	sadd.s32 $0x0, s15;
	s13 =	simm.s32 $0x400;
	[sflag:s6] =	ssyncadd.s32 $0xFFFFFC00  }
0x39: {  	[tilespmem:s13], [sflag:$0x3] =	stream.linear.gather [hbm4b:s0+s12], $0x400, $0x38;
	[tilespmem:$0x1C800] =	vst v63  }
0x3a: {  	_ =	swait.ge [sflag:s6], $0x400  }
0x3b: {  	[sflag:s6] =	ssyncset.done $0x0  }
0x3c: {  	s8 =	simm.s32 $0x80;
	[sflag:s6] =	ssyncadd.s32 $0xFFFFFC00  }
0x3d: {  	[tilespmem:s7], [sflag:$0x1] =	stream.indirect.gather [hbm4b:s5+s8], $0x80, s12, s8, $0xb8;
	[tilespmem:$0x1C800] =	vst v63  }
0x3e: {  	s9 =	simm.s32 $0x4800;
	s10 =	simm.s32 $0x1  }
0x3f: {  	[tilespmem:s9], [sflag:$0x2] =	stream.indirect.gather [hbm4b:s5+s8], $0x80, s8, s8, $0xb8;
	[tilespmem:$0x1C800] =	vst v63  }
0x40: {  	_ =	swait.ge [sflag:s10], $0x4000  }
0x41: {  	[sflag:s10] =	ssyncset.done $0x0  }
0x42: {  	[sflag:s10] =	ssyncadd.s32 $0xFFFFC000  }
0x43: {  	[spmem:s2] =	stream.indirect.scatter.add.f32 [tilespmem:s7], [sflag:$0x3], $0x80, s13, s8, $0xb8;
	[tilespmem:$0x1C800] =	vst v63  }
0x44: {  	_ =	swait.ge [sflag:s6], $0x4000  }
0x45: {  	[sflag:s6] =	ssyncset.done $0x0  }
0x46: {  	s16 =	simm.s32 $0x100;
	s11 =	simm.s32 $0x2;
	[sflag:s6] =	ssyncadd.s32 $0xFFFFC000  }
0x47: {  	[tilespmem:s7], [sflag:$0x1] =	stream.indirect.gather [hbm4b:s5+s8], $0x80, s16, s8, $0xb8;
	[tilespmem:$0x1C800] =	vst v63  }
0x48: {  	_ =	swait.ge [sflag:s11], $0x4000  }
0x49: {  	[sflag:s11] =	ssyncset.done $0x0  }
0x4a: {  	s17 =	simm.s32 $0x480;
	[sflag:s11] =	ssyncadd.s32 $0xFFFFC000  }
0x4b: {  	[spmem:s2] =	stream.indirect.scatter.add.f32 [tilespmem:s9], [sflag:$0x3], $0x80, s17, s8, $0xb8;
	[tilespmem:$0x1C800] =	vst v63  }
0x4c: {  	_ =	swait.ge [sflag:s6], $0x4000  }
0x4d: {  	[sflag:s6] =	ssyncset.done $0x0  }
0x4e: {  	s18 =	simm.s32 $0x180;
	[sflag:s6] =	ssyncadd.s32 $0xFFFFC000  }
0x4f: {  	[tilespmem:s9], [sflag:$0x2] =	stream.indirect.gather [hbm4b:s5+s8], $0x80, s18, s8, $0xb8;
	[tilespmem:$0x1C800] =	vst v63  }
0x50: {  	_ =	swait.ge [sflag:s10], $0x4000  }
0x51: {  	[sflag:s10] =	ssyncset.done $0x0  }
0x52: {  	s19 =	simm.s32 $0x500;
	[sflag:s10] =	ssyncadd.s32 $0xFFFFC000  }
0x53: {  	[spmem:s2] =	stream.indirect.scatter.add.f32 [tilespmem:s7], [sflag:$0x3], $0x80, s19, s8, $0xb8;
	[tilespmem:$0x1C800] =	vst v63  }
0x54: {  	_ =	swait.ge [sflag:s6], $0x4000  }
0x55: {  	[sflag:s6] =	ssyncset.done $0x0  }
0x56: {  	s20 =	simm.s32 $0x200;
	[sflag:s6] =	ssyncadd.s32 $0xFFFFC000  }
0x57: {  	[tilespmem:s7], [sflag:$0x1] =	stream.indirect.gather [hbm4b:s5+s8], $0x80, s20, s8, $0xb8;
	[tilespmem:$0x1C800] =	vst v63  }
0x58: {  	_ =	swait.ge [sflag:s11], $0x4000  }
0x59: {  	[sflag:s11] =	ssyncset.done $0x0  }
0x5a: {  	s21 =	simm.s32 $0x580;
	[sflag:s11] =	ssyncadd.s32 $0xFFFFC000  }
0x5b: {  	[spmem:s2] =	stream.indirect.scatter.add.f32 [tilespmem:s9], [sflag:$0x3], $0x80, s21, s8, $0xb8;
	[tilespmem:$0x1C800] =	vst v63  }
0x5c: {  	_ =	swait.ge [sflag:s6], $0x4000  }
0x5d: {  	[sflag:s6] =	ssyncset.done $0x0  }
0x5e: {  	s22 =	simm.s32 $0x280;
	[sflag:s6] =	ssyncadd.s32 $0xFFFFC000  }
0x5f: {  	[tilespmem:s9], [sflag:$0x2] =	stream.indirect.gather [hbm4b:s5+s8], $0x80, s22, s8, $0xb8;
	[tilespmem:$0x1C800] =	vst v63  }
0x60: {  	_ =	swait.ge [sflag:s10], $0x4000  }
0x61: {  	[sflag:s10] =	ssyncset.done $0x0  }
0x62: {  	s23 =	simm.s32 $0x600;
	[sflag:s10] =	ssyncadd.s32 $0xFFFFC000  }
0x63: {  	[spmem:s2] =	stream.indirect.scatter.add.f32 [tilespmem:s7], [sflag:$0x3], $0x80, s23, s8, $0xb8;
	[tilespmem:$0x1C800] =	vst v63  }
0x64: {  	_ =	swait.ge [sflag:s6], $0x4000  }
0x65: {  	[sflag:s6] =	ssyncset.done $0x0  }
0x66: {  	s24 =	simm.s32 $0x300;
	[sflag:s6] =	ssyncadd.s32 $0xFFFFC000  }
0x67: {  	[tilespmem:s7], [sflag:$0x1] =	stream.indirect.gather [hbm4b:s5+s8], $0x80, s24, s8, $0xb8;
	[tilespmem:$0x1C800] =	vst v63  }
0x68: {  	_ =	swait.ge [sflag:s11], $0x4000  }
0x69: {  	[sflag:s11] =	ssyncset.done $0x0  }
0x6a: {  	s25 =	simm.s32 $0x680;
	[sflag:s11] =	ssyncadd.s32 $0xFFFFC000  }
0x6b: {  	[spmem:s2] =	stream.indirect.scatter.add.f32 [tilespmem:s9], [sflag:$0x3], $0x80, s25, s8, $0xb8;
	[tilespmem:$0x1C800] =	vst v63  }
0x6c: {  	_ =	swait.ge [sflag:s6], $0x4000  }
0x6d: {  	[sflag:s6] =	ssyncset.done $0x0  }
0x6e: {  	s26 =	simm.s32 $0x380;
	[sflag:s6] =	ssyncadd.s32 $0xFFFFC000  }
0x6f: {  	[tilespmem:s9], [sflag:$0x2] =	stream.indirect.gather [hbm4b:s5+s8], $0x80, s26, s8, $0xb8;
	[tilespmem:$0x1C800] =	vst v63  }
0x70: {  	_ =	swait.ge [sflag:s10], $0x4000  }
0x71: {  	[sflag:s10] =	ssyncset.done $0x0  }
0x72: {  	s28 =	simm.s32 $0x700;
	[sflag:s10] =	ssyncadd.s32 $0xFFFFC000  }
0x73: {  	[spmem:s2] =	stream.indirect.scatter.add.f32 [tilespmem:s7], [sflag:$0x3], $0x80, s28, s8, $0xb8;
	[tilespmem:$0x1C800] =	vst v63  }
0x74: {  	_ =	swait.ge [sflag:s6], $0x4000  }
0x75: {  	[sflag:s6] =	ssyncset.done $0x0  }
0x76: {  	[sflag:s6] =	ssyncadd.s32 $0xFFFFC000  }
0x77: {  	_ =	swait.ge [sflag:s11], $0x4000  }
0x78: {  	[sflag:s11] =	ssyncset.done $0x0  }
0x79: {  	s29 =	simm.s32 $0x780;
	[sflag:s11] =	ssyncadd.s32 $0xFFFFC000  }
0x7a: {  	[spmem:s2] =	stream.indirect.scatter.add.f32 [tilespmem:s9], [sflag:$0x3], $0x80, s29, s8, $0xb8;
	[tilespmem:$0x1C800] =	vst v63  }
0x7b: {  	_ =	swait.ge [sflag:s6], $0x4000  }
0x7c: {  	s30 =	simm.s32 $0x80;
	s31 =	simm.s32 $0x100;
	[sflag:s6] =	ssyncset.done $0x0  }
.LBB2_4:
0x7d: {  	s4 =	sadd.s32 s30, s14  }
0x7e: {  	[sflag:s6] =	ssyncadd.s32 $0xFFFFC000;
	s1 =	smov.u32 s31;
	s0 =	sadd.s32 $0x80, s31  }
0x7f: {  	[tilespmem:s12], [sflag:$0x3] =	stream.linear.gather [hbm4b:s4+s12], $0x400, $0x38;
	[tilespmem:$0x1C800] =	vst v63  }
0x80: {  	p0 =	sne.s32 s31, $0x980;
	_ =	swait.ge [sflag:s6], $0x400  }
0x81: {  	[sflag:s6] =	ssyncset.done $0x0  }
0x82: {  	s4 =	sadd.s32 s30, s15;
	s30 =	smov.u32 s1;
	[sflag:s6] =	ssyncadd.s32 $0xFFFFFC00  }
0x83: {  	[tilespmem:s13], [sflag:$0x3] =	stream.linear.gather [hbm4b:s4+s12], $0x400, $0x38;
	[tilespmem:$0x1C800] =	vst v63  }
0x84: {  	_ =	swait.ge [sflag:s6], $0x400  }
0x85: {  	[sflag:s6] =	ssyncset.done $0x0  }
0x86: {  	[sflag:s6] =	ssyncadd.s32 $0xFFFFFC00  }
0x87: {  	[tilespmem:s7], [sflag:$0x1] =	stream.indirect.gather [hbm4b:s5+s8], $0x80, s12, s8, $0xb8;
	[tilespmem:$0x1C800] =	vst v63  }
0x88: {  	_ = 	snop  }
0x89: {  	[tilespmem:s9], [sflag:$0x2] =	stream.indirect.gather [hbm4b:s5+s8], $0x80, s8, s8, $0xb8;
	[tilespmem:$0x1C800] =	vst v63  }
0x8a: {  	_ =	swait.ge [sflag:s10], $0x4000  }
0x8b: {  	[sflag:s10] =	ssyncset.done $0x0  }
0x8c: {  	[sflag:s10] =	ssyncadd.s32 $0xFFFFC000  }
0x8d: {  	[spmem:s2] =	stream.indirect.scatter.add.f32 [tilespmem:s7], [sflag:$0x3], $0x80, s13, s8, $0xb8;
	[tilespmem:$0x1C800] =	vst v63  }
0x8e: {  	_ =	swait.ge [sflag:s6], $0x4000  }
0x8f: {  	[sflag:s6] =	ssyncset.done $0x0  }
0x90: {  	[sflag:s6] =	ssyncadd.s32 $0xFFFFC000  }
0x91: {  	[tilespmem:s7], [sflag:$0x1] =	stream.indirect.gather [hbm4b:s5+s8], $0x80, s16, s8, $0xb8;
	[tilespmem:$0x1C800] =	vst v63  }
0x92: {  	_ =	swait.ge [sflag:s11], $0x4000  }
0x93: {  	[sflag:s11] =	ssyncset.done $0x0  }
0x94: {  	[sflag:s11] =	ssyncadd.s32 $0xFFFFC000  }
0x95: {  	[spmem:s2] =	stream.indirect.scatter.add.f32 [tilespmem:s9], [sflag:$0x3], $0x80, s17, s8, $0xb8;
	[tilespmem:$0x1C800] =	vst v63  }
0x96: {  	_ =	swait.ge [sflag:s6], $0x4000  }
0x97: {  	[sflag:s6] =	ssyncset.done $0x0  }
0x98: {  	[sflag:s6] =	ssyncadd.s32 $0xFFFFC000  }
0x99: {  	[tilespmem:s9], [sflag:$0x2] =	stream.indirect.gather [hbm4b:s5+s8], $0x80, s18, s8, $0xb8;
	[tilespmem:$0x1C800] =	vst v63  }
0x9a: {  	_ =	swait.ge [sflag:s10], $0x4000  }
0x9b: {  	[sflag:s10] =	ssyncset.done $0x0  }
0x9c: {  	[sflag:s10] =	ssyncadd.s32 $0xFFFFC000  }
0x9d: {  	[spmem:s2] =	stream.indirect.scatter.add.f32 [tilespmem:s7], [sflag:$0x3], $0x80, s19, s8, $0xb8;
	[tilespmem:$0x1C800] =	vst v63  }
0x9e: {  	_ =	swait.ge [sflag:s6], $0x4000  }
0x9f: {  	[sflag:s6] =	ssyncset.done $0x0  }
0xa0: {  	[sflag:s6] =	ssyncadd.s32 $0xFFFFC000  }
0xa1: {  	[tilespmem:s7], [sflag:$0x1] =	stream.indirect.gather [hbm4b:s5+s8], $0x80, s20, s8, $0xb8;
	[tilespmem:$0x1C800] =	vst v63  }
0xa2: {  	_ =	swait.ge [sflag:s11], $0x4000  }
0xa3: {  	[sflag:s11] =	ssyncset.done $0x0  }
0xa4: {  	[sflag:s11] =	ssyncadd.s32 $0xFFFFC000  }
0xa5: {  	[spmem:s2] =	stream.indirect.scatter.add.f32 [tilespmem:s9], [sflag:$0x3], $0x80, s21, s8, $0xb8;
	[tilespmem:$0x1C800] =	vst v63  }
0xa6: {  	_ =	swait.ge [sflag:s6], $0x4000  }
0xa7: {  	[sflag:s6] =	ssyncset.done $0x0  }
0xa8: {  	[sflag:s6] =	ssyncadd.s32 $0xFFFFC000  }
0xa9: {  	[tilespmem:s9], [sflag:$0x2] =	stream.indirect.gather [hbm4b:s5+s8], $0x80, s22, s8, $0xb8;
	[tilespmem:$0x1C800] =	vst v63  }
0xaa: {  	_ =	swait.ge [sflag:s10], $0x4000  }
0xab: {  	[sflag:s10] =	ssyncset.done $0x0  }
0xac: {  	[sflag:s10] =	ssyncadd.s32 $0xFFFFC000  }
0xad: {  	[spmem:s2] =	stream.indirect.scatter.add.f32 [tilespmem:s7], [sflag:$0x3], $0x80, s23, s8, $0xb8;
	[tilespmem:$0x1C800] =	vst v63  }
0xae: {  	_ =	swait.ge [sflag:s6], $0x4000  }
0xaf: {  	[sflag:s6] =	ssyncset.done $0x0  }
0xb0: {  	[sflag:s6] =	ssyncadd.s32 $0xFFFFC000  }
0xb1: {  	[tilespmem:s7], [sflag:$0x1] =	stream.indirect.gather [hbm4b:s5+s8], $0x80, s24, s8, $0xb8;
	[tilespmem:$0x1C800] =	vst v63  }
0xb2: {  	_ =	swait.ge [sflag:s11], $0x4000  }
0xb3: {  	[sflag:s11] =	ssyncset.done $0x0  }
0xb4: {  	[sflag:s11] =	ssyncadd.s32 $0xFFFFC000  }
0xb5: {  	[spmem:s2] =	stream.indirect.scatter.add.f32 [tilespmem:s9], [sflag:$0x3], $0x80, s25, s8, $0xb8;
	[tilespmem:$0x1C800] =	vst v63  }
0xb6: {  	_ =	swait.ge [sflag:s6], $0x4000  }
0xb7: {  	[sflag:s6] =	ssyncset.done $0x0  }
0xb8: {  	[sflag:s6] =	ssyncadd.s32 $0xFFFFC000  }
0xb9: {  	[tilespmem:s9], [sflag:$0x2] =	stream.indirect.gather [hbm4b:s5+s8], $0x80, s26, s8, $0xb8;
	[tilespmem:$0x1C800] =	vst v63  }
0xba: {  	_ =	swait.ge [sflag:s10], $0x4000  }
0xbb: {  	[sflag:s10] =	ssyncset.done $0x0  }
0xbc: {  	[sflag:s10] =	ssyncadd.s32 $0xFFFFC000  }
0xbd: {  	[spmem:s2] =	stream.indirect.scatter.add.f32 [tilespmem:s7], [sflag:$0x3], $0x80, s28, s8, $0xb8;
	[tilespmem:$0x1C800] =	vst v63  }
0xbe: {  	_ =	swait.ge [sflag:s6], $0x4000  }
0xbf: {  	[sflag:s6] =	ssyncset.done $0x0  }
0xc0: {  	[sflag:s6] =	ssyncadd.s32 $0xFFFFC000  }
0xc1: {  	_ =	swait.ge [sflag:s11], $0x4000  }
.Ltmp2:
0xc2: {  	[sflag:s11] =	ssyncset.done $0x0;
	(pc) =	sbr.rel @p0 .LBB2_4-.Ltmp2, $4  }
0xc3: {  	[sflag:s11] =	ssyncadd.s32 $0xFFFFC000  }
0xc4: {  	[spmem:s2] =	stream.indirect.scatter.add.f32 [tilespmem:s9], [sflag:$0x3], $0x80, s29, s8, $0xb8;
	[tilespmem:$0x1C800] =	vst v63  }
0xc5: {  	_ =	swait.ge [sflag:s6], $0x4000  }
0xc6: {  	s31 =	smov.u32 s0;
	[sflag:s6] =	ssyncset.done $0x0  }
0xc7: {  	s0 =	sadd.s32 s30, s14;
	[sflag:s6] =	ssyncadd.s32 $0xFFFFC000  }
0xc8: {  	[tilespmem:s12], [sflag:$0x3] =	stream.linear.gather [hbm4b:s0+s12], $0x400, $0x38;
	[tilespmem:$0x1C800] =	vst v63  }
0xc9: {  	_ =	swait.ge [sflag:s6], $0x400  }
0xca: {  	[sflag:s6] =	ssyncset.done $0x0  }
0xcb: {  	s15 =	sadd.s32 s30, s15;
	[sflag:s6] =	ssyncadd.s32 $0xFFFFFC00  }
0xcc: {  	[tilespmem:s13], [sflag:$0x3] =	stream.linear.gather [hbm4b:s15+s12], $0x400, $0x38;
	[tilespmem:$0x1C800] =	vst v63  }
0xcd: {  	_ =	swait.ge [sflag:s6], $0x400  }
0xce: {  	[sflag:s6] =	ssyncset.done $0x0  }
0xcf: {  	[sflag:s6] =	ssyncadd.s32 $0xFFFFFC00  }
0xd0: {  	[tilespmem:s7], [sflag:$0x1] =	stream.indirect.gather [hbm4b:s5+s8], $0x80, s12, s8, $0xb8;
	[tilespmem:$0x1C800] =	vst v63  }
0xd1: {  	_ = 	snop  }
0xd2: {  	[tilespmem:s9], [sflag:$0x2] =	stream.indirect.gather [hbm4b:s5+s8], $0x80, s8, s8, $0xb8;
	[tilespmem:$0x1C800] =	vst v63  }
0xd3: {  	_ =	swait.ge [sflag:s10], $0x4000  }
0xd4: {  	[sflag:s10] =	ssyncset.done $0x0  }
0xd5: {  	[sflag:s10] =	ssyncadd.s32 $0xFFFFC000  }
0xd6: {  	[spmem:s2] =	stream.indirect.scatter.add.f32 [tilespmem:s7], [sflag:$0x3], $0x80, s13, s8, $0xb8;
	[tilespmem:$0x1C800] =	vst v63  }
0xd7: {  	_ =	swait.ge [sflag:s6], $0x4000  }
0xd8: {  	[sflag:s6] =	ssyncset.done $0x0  }
0xd9: {  	[sflag:s6] =	ssyncadd.s32 $0xFFFFC000  }
0xda: {  	[tilespmem:s7], [sflag:$0x1] =	stream.indirect.gather [hbm4b:s5+s8], $0x80, s16, s8, $0xb8;
	[tilespmem:$0x1C800] =	vst v63  }
0xdb: {  	_ =	swait.ge [sflag:s11], $0x4000  }
0xdc: {  	[sflag:s11] =	ssyncset.done $0x0  }
0xdd: {  	[sflag:s11] =	ssyncadd.s32 $0xFFFFC000  }
0xde: {  	[spmem:s2] =	stream.indirect.scatter.add.f32 [tilespmem:s9], [sflag:$0x3], $0x80, s17, s8, $0xb8;
	[tilespmem:$0x1C800] =	vst v63  }
0xdf: {  	_ =	swait.ge [sflag:s6], $0x4000  }
0xe0: {  	[sflag:s6] =	ssyncset.done $0x0  }
0xe1: {  	[sflag:s6] =	ssyncadd.s32 $0xFFFFC000  }
0xe2: {  	[tilespmem:s9], [sflag:$0x2] =	stream.indirect.gather [hbm4b:s5+s8], $0x80, s18, s8, $0xb8;
	[tilespmem:$0x1C800] =	vst v63  }
0xe3: {  	_ =	swait.ge [sflag:s10], $0x4000  }
0xe4: {  	[sflag:s10] =	ssyncset.done $0x0  }
0xe5: {  	[sflag:s10] =	ssyncadd.s32 $0xFFFFC000  }
0xe6: {  	[spmem:s2] =	stream.indirect.scatter.add.f32 [tilespmem:s7], [sflag:$0x3], $0x80, s19, s8, $0xb8;
	[tilespmem:$0x1C800] =	vst v63  }
0xe7: {  	_ =	swait.ge [sflag:s6], $0x4000  }
0xe8: {  	[sflag:s6] =	ssyncset.done $0x0  }
0xe9: {  	[sflag:s6] =	ssyncadd.s32 $0xFFFFC000  }
0xea: {  	[tilespmem:s7], [sflag:$0x1] =	stream.indirect.gather [hbm4b:s5+s8], $0x80, s20, s8, $0xb8;
	[tilespmem:$0x1C800] =	vst v63  }
0xeb: {  	_ =	swait.ge [sflag:s11], $0x4000  }
0xec: {  	[sflag:s11] =	ssyncset.done $0x0  }
0xed: {  	[sflag:s11] =	ssyncadd.s32 $0xFFFFC000  }
0xee: {  	[spmem:s2] =	stream.indirect.scatter.add.f32 [tilespmem:s9], [sflag:$0x3], $0x80, s21, s8, $0xb8;
	[tilespmem:$0x1C800] =	vst v63  }
0xef: {  	_ =	swait.ge [sflag:s6], $0x4000  }
0xf0: {  	[sflag:s6] =	ssyncset.done $0x0  }
0xf1: {  	[sflag:s6] =	ssyncadd.s32 $0xFFFFC000  }
0xf2: {  	[tilespmem:s9], [sflag:$0x2] =	stream.indirect.gather [hbm4b:s5+s8], $0x80, s22, s8, $0xb8;
	[tilespmem:$0x1C800] =	vst v63  }
0xf3: {  	_ =	swait.ge [sflag:s10], $0x4000  }
0xf4: {  	[sflag:s10] =	ssyncset.done $0x0  }
0xf5: {  	[sflag:s10] =	ssyncadd.s32 $0xFFFFC000  }
0xf6: {  	[spmem:s2] =	stream.indirect.scatter.add.f32 [tilespmem:s7], [sflag:$0x3], $0x80, s23, s8, $0xb8;
	[tilespmem:$0x1C800] =	vst v63  }
0xf7: {  	_ =	swait.ge [sflag:s6], $0x4000  }
0xf8: {  	[sflag:s6] =	ssyncset.done $0x0  }
0xf9: {  	[sflag:s6] =	ssyncadd.s32 $0xFFFFC000  }
0xfa: {  	[tilespmem:s7], [sflag:$0x1] =	stream.indirect.gather [hbm4b:s5+s8], $0x80, s24, s8, $0xb8;
	[tilespmem:$0x1C800] =	vst v63  }
0xfb: {  	_ =	swait.ge [sflag:s11], $0x4000  }
0xfc: {  	[sflag:s11] =	ssyncset.done $0x0  }
0xfd: {  	[sflag:s11] =	ssyncadd.s32 $0xFFFFC000  }
0xfe: {  	[spmem:s2] =	stream.indirect.scatter.add.f32 [tilespmem:s9], [sflag:$0x3], $0x80, s25, s8, $0xb8;
	[tilespmem:$0x1C800] =	vst v63  }
0xff: {  	_ =	swait.ge [sflag:s6], $0x4000  }
0x100: {  	[sflag:s6] =	ssyncset.done $0x0  }
0x101: {  	[sflag:s6] =	ssyncadd.s32 $0xFFFFC000  }
0x102: {  	[tilespmem:s9], [sflag:$0x2] =	stream.indirect.gather [hbm4b:s5+s8], $0x80, s26, s8, $0xb8;
	[tilespmem:$0x1C800] =	vst v63  }
0x103: {  	_ =	swait.ge [sflag:s10], $0x4000  }
0x104: {  	[sflag:s10] =	ssyncset.done $0x0  }
0x105: {  	[sflag:s10] =	ssyncadd.s32 $0xFFFFC000  }
0x106: {  	[spmem:s2] =	stream.indirect.scatter.add.f32 [tilespmem:s7], [sflag:$0x3], $0x80, s28, s8, $0xb8;
	[tilespmem:$0x1C800] =	vst v63  }
0x107: {  	_ =	swait.ge [sflag:s6], $0x4000  }
0x108: {  	[sflag:s6] =	ssyncset.done $0x0  }
0x109: {  	[sflag:s6] =	ssyncadd.s32 $0xFFFFC000  }
0x10a: {  	_ =	swait.ge [sflag:s11], $0x4000  }
0x10b: {  	[sflag:s11] =	ssyncset.done $0x0  }
0x10c: {  	[sflag:s11] =	ssyncadd.s32 $0xFFFFC000  }
0x10d: {  	[spmem:s2] =	stream.indirect.scatter.add.f32 [tilespmem:s9], [sflag:$0x3], $0x80, s29, s8, $0xb8;
	[tilespmem:$0x1C800] =	vst v63  }
0x10e: {  	_ =	swait.ge [sflag:s6], $0x4000  }
0x10f: {  	[sflag:s6] =	ssyncset.done $0x0  }
0x110: {  	s14 =	stileid.u32;
	[sflag:s6] =	ssyncadd.s32 $0xFFFFC000  }
0x111: {  	s1 =	sshrl.u32 s3, $0x3;
	s29 =	sshll.u32 s14, $0x6;
	[bflag:$0x0] =	sbarrier.arrive $0xFFFF  }
0x112: {  	s31 =	simm.s32 $0x3;
	s0 =	sor.u32 $0x1C03, s29;
	s30 =	rddreg [dreg:$0x4]  }
0x113: {  	[hbm:s30], [sflag:s0] =	dma.local [spmem:s1], $0x2800  }
0x114: {  	_ =	swait.ge [sflag:s31], $0x2800  }
0x115: {  	[sflag:s31] =	ssyncset.done $0x0  }
0x116: {  	[sflag:s31] =	ssyncadd.s32 $0xFFFFD800  }
0x117: {  	s4 =	rddreg [dreg:$0x3]  }
.LBB2_6:
0x118: {  	_ =	sfence.sel $0x180000  }
0x119: {  	[bflag:$0x0] =	sbarrier.arrive $0xFFFF  }
0x11a: {  	p0 =	sne.s32 s14, $0x0;
	_ =	strace $0x9000004A  }
0x11b: {  	s0 =	sadd.s32 @!p0 $0x100000, s4;
	[bflag:$0x2] =	sbarrier.arrive $0xFFFF  }
0x11c: {  	[sflag:s0] =	ssyncadd.tile.s32 @!p0 $0x1;
	_ =	shalt  }
.Lfunc_end2:
_tile_overlayer_lowered:
.L_overlay_start_2:
0x11d: {  	(tag) =	ssettag $0x2  }
0x11e: {  	s0 =	rddreg [dreg:$0x0];
	s2 =	stileid.u32  }
0x11f: {  	s1 =	rddreg [dreg:$0x1];
	p0 =	sne.s32 s2, $0x0  }
0x120: {  	s3 =	rddreg [dreg:$0x2];
	[bflag:$0x3] =	sbarrier.arrive $0xFFFF;
	s2 =	simm.s32 @!p0 $0x1C03  }
0x121: {  	[timem:s3], [sflag:s2] =	dma.local @!p0 [hbm:s0], s1  }
0x122: {  	s0 =	simm.s32 @!p0 $0x3  }
0x123: {  	_ =	swait.ge @!p0 [sflag:s0], s1  }
0x124: {  	s1 =	ssub.s32 @!p0 $0x0, s1;
	[sflag:s0] =	ssyncset.done @!p0 $0x0  }
0x125: {  	[sflag:s0] =	ssyncadd.s32 @!p0 s1  }
0x126: {  	[bflag:$0x3] =	sbarrier.arrive $0xFFFF  }
0x127: {  	_ =	shalt  }

// kernel: kernel.14.cloned.1.call-start
scs
__scs_entry_jumppad:
0x0: {  	(pc) =	sbr.rel $0x88, $3  }
0x1: {  	(tag) =	ssettag $0x0;
	lr =	simm.s32 $0x1  }
0x2: {  	[smem:$0x3F9B] =	sst lr;
	_ =	strace $0xD0000000  }
0x3: {  	_ = 	snop  }
0x4: {  	_ = 	snop  }
0x5: {  	_ = 	snop  }
0x6: {  	_ = 	snop  }
0x7: {  	_ = 	snop  }
__scs_overlays_trampoline_lowered:
0x8: {  	[smem:$0x3FAA] =	sst s0  }
0x9: {  	[smem:$0x3FAB] =	sst s1  }
0xa: {  	[smem:$0x3FAC] =	sst s2  }
0xb: {  	[smem:$0x3FAD] =	sst s3  }
0xc: {  	[smem:$0x3FAE] =	sst s4  }
0xd: {  	[smem:$0x3FAF] =	sst s5  }
0xe: {  	[smem:$0x3FB0] =	sst s6  }
0xf: {  	[smem:$0x3FB1] =	sst s7  }
0x10: {  	[smem:$0x3FB2] =	sst s8  }
0x11: {  	[smem:$0x3FB3] =	sst s9;
	s0 =	simm.s32 @!p0 $0x0  }
0x12: {  	s1 =	sld [smem:$0x3F99];
	s0 =	simm.s32 @p0 $0x1  }
0x13: {  	[smem:$0x3FB4] =	sst s0;
	s0 =	simm.s32 @!p1 $0x0  }
0x14: {  	s2 =	sld [smem:$0x3F98];
	s0 =	simm.s32 @p1 $0x1  }
0x15: {  	[smem:$0x3FB5] =	sst s0;
	s0 =	simm.s32 @!p2 $0x0  }
0x16: {  	s3 =	sld [smem:$0x3FDB];
	s0 =	simm.s32 @p2 $0x1  }
0x17: {  	s4 =	simm.s32 $0x1BF5;
	[smem:$0x3FB7] =	sst s0  }
0x18: {  	s0 =	sld [smem:$0x3F9A];
	_ =	swait.ge [sflag:s4], $0x0  }
0x19: {  	s7 =	sld [smem:$0x3F9B]  }
0x1a: {  	s8 =	sadd.s32 $0xFFFFE003, lr  }
0x1b: {  	s9 =	sadd.s32 $0xFFFFFEF7, lr;
	s5 =	simm.s32 $0xFFFFFFFF;
	p2 =	slt.u32 s8, $0xFFFFF086  }
0x1c: {  	p1 =	slt.u32 s9, $0xF7A;
	s5 =	simm.s32 @!p2 $0x0  }
0x1d: {  	s5 =	simm.s32 @p1 $0x1;
	p0 =	seq.s32 s7, s2  }
0x1e: {  	s7 =	smul.u32 @!p0 $0xF7A, s2;
	p2 =	seq.s32 @!p0 s5, $0x0  }
0x1f: {  	s9 =	smul.u32 $0xF7A, s1;
	s8 =	simm.s32 @!p0 $0x1BF5;
	p2 =	por !p2, p0  }
0x20: {  	[sflag:s8] =	ssyncset.s32 @!p0 $0xFFFFF086;
	s6 =	sadd.s32 @!p0 s3, s7;
	s7 =	simm.s32 @!p0 $0x108  }
0x21: {  	s3 =	sadd.s32 s3, s9;
	s6 =	sadd.s32 @!p0 $0x88, s6;
	s7 =	simm.s32 @p2 $0x1082  }
0x22: {  	[simem:s7], [sflag:s8] =	dma.local @!p0 [hbm:s6], $0xF7A  }
0x23: {  	s9 =	sor.u32 $0xD0000000, s2;
	s6 =	simm.s32 $0x108;
	_ =	swait.ge @!p0 [sflag:s8], $0x0  }
0x24: {  	s3 =	sadd.s32 $0x88, s3;
	s6 =	simm.s32 @!p1 $0x1082;
	[sflag:s4] =	ssyncset.s32 $0xFFFFF086  }
0x25: {  	[simem:s6], [sflag:s4] =	dma.local [hbm:s3], $0xF7A  }
0x26: {  	[smem:$0x3F9B] =	sst s1;
	(tag) =	ssettag s2;
	_ =	strace s9  }
0x27: {  	s1 =	sld [smem:$0x3FAB]  }
0x28: {  	s2 =	sld [smem:$0x3FAC]  }
0x29: {  	s4 =	sld [smem:$0x3FAE]  }
0x2a: {  	p0 =	seq.s32 s5, $0x0;
	s5 =	sld [smem:$0x3FAF]  }
0x2b: {  	s6 =	sld [smem:$0x3FB0]  }
0x2c: {  	s7 =	sld [smem:$0x3FB1]  }
0x2d: {  	s3 =	simm.s32 $0x108;
	s8 =	sld [smem:$0x3FB2]  }
0x2e: {  	s3 =	simm.s32 @!p0 $0x1082;
	s9 =	sld [smem:$0x3FB3]  }
0x2f: {  	lr =	sadd.s32 s0, s3;
	s0 =	sld [smem:$0x3FAA]  }
0x30: {  	s3 =	sld [smem:$0x3FAD]  }
0x31: {  	[smem:$0x3FB6] =	sst s10  }
0x32: {  	s10 =	sld [smem:$0x3FB4];
	_ =	sdelay $0x3  }
0x33: {  	p0 =	seq.s32 s10, $0x1;
	s10 =	sld [smem:$0x3FB6];
	_ =	sdelay $0x3  }
0x34: {  	[smem:$0x3FB6] =	sst s10  }
0x35: {  	s10 =	sld [smem:$0x3FB5];
	_ =	sdelay $0x3  }
0x36: {  	p1 =	seq.s32 s10, $0x1;
	s10 =	sld [smem:$0x3FB6];
	_ =	sdelay $0x3  }
0x37: {  	[smem:$0x3FB6] =	sst s10  }
0x38: {  	s10 =	sld [smem:$0x3FB7]  }
0x39: {  	_ = 	snop;
	(pc) =	sbr.ind lr, $3  }
0x3a: {  	_ = 	snop  }
0x3b: {  	_ = 	snop  }
0x3c: {  	p2 =	seq.s32 s10, $0x1;
	s10 =	sld [smem:$0x3FB6]  }
0x3d: {  	_ =	shalt  }
0x3e: {  	_ =	shalt  }
0x3f: {  	_ =	shalt  }
0x40: {  	_ =	shalt  }
0x41: {  	_ =	shalt  }
0x42: {  	_ =	shalt  }
0x43: {  	_ =	shalt  }
0x44: {  	_ =	shalt  }
0x45: {  	_ =	shalt  }
0x46: {  	_ =	shalt  }
0x47: {  	_ =	shalt  }
0x48: {  	_ =	shalt  }
0x49: {  	_ =	shalt  }
0x4a: {  	_ =	shalt  }
0x4b: {  	_ =	shalt  }
0x4c: {  	_ =	shalt  }
0x4d: {  	_ =	shalt  }
0x4e: {  	_ =	shalt  }
0x4f: {  	_ =	shalt  }
0x50: {  	_ =	shalt  }
0x51: {  	_ =	shalt  }
0x52: {  	_ =	shalt  }
0x53: {  	_ =	shalt  }
0x54: {  	_ =	shalt  }
0x55: {  	_ =	shalt  }
0x56: {  	_ =	shalt  }
0x57: {  	_ =	shalt  }
0x58: {  	_ =	shalt  }
0x59: {  	_ =	shalt  }
0x5a: {  	_ =	shalt  }
0x5b: {  	_ =	shalt  }
0x5c: {  	_ =	shalt  }
0x5d: {  	_ =	shalt  }
0x5e: {  	_ =	shalt  }
0x5f: {  	_ =	shalt  }
0x60: {  	_ =	shalt  }
0x61: {  	_ =	shalt  }
0x62: {  	_ =	shalt  }
0x63: {  	_ =	shalt  }
0x64: {  	_ =	shalt  }
0x65: {  	_ =	shalt  }
0x66: {  	_ =	shalt  }
0x67: {  	_ =	shalt  }
0x68: {  	_ =	shalt  }
0x69: {  	_ =	shalt  }
0x6a: {  	_ =	shalt  }
0x6b: {  	_ =	shalt  }
0x6c: {  	_ =	shalt  }
0x6d: {  	_ =	shalt  }
0x6e: {  	_ =	shalt  }
0x6f: {  	_ =	shalt  }
0x70: {  	_ =	shalt  }
0x71: {  	_ =	shalt  }
0x72: {  	_ =	shalt  }
0x73: {  	_ =	shalt  }
0x74: {  	_ =	shalt  }
0x75: {  	_ =	shalt  }
0x76: {  	_ =	shalt  }
0x77: {  	_ =	shalt  }
0x78: {  	_ =	shalt  }
0x79: {  	_ =	shalt  }
0x7a: {  	_ =	shalt  }
0x7b: {  	_ =	shalt  }
0x7c: {  	_ =	shalt  }
0x7d: {  	_ =	shalt  }
0x7e: {  	_ =	shalt  }
0x7f: {  	_ =	shalt  }
0x80: {  	_ =	shalt  }
0x81: {  	_ =	shalt  }
0x82: {  	_ =	shalt  }
0x83: {  	_ =	shalt  }
0x84: {  	_ =	shalt  }
0x85: {  	_ =	shalt  }
0x86: {  	_ =	shalt  }
0x87: {  	_ =	shalt  }
.Lfunc_end0:
.L_simem_size_0:
called_computation.2_lowered:
.L_overlay_start_0:
0x88: {  	s2 =	sld [smem:$0x3FD9]  }
0x89: {  	s3 =	sld [smem:$0x3FFE];
	_ =	sdelay $0x1  }
0x8a: {  	s1 =	srdreg.scid  }
0x8b: {  	s0 =	sand.u32 $0x1, s1  }
0x8c: {  	s17 =	sshll.u32 s0, $0xA;
	s2 =	sadd.s32 s3, s2  }
0x8d: {  	s2 =	sadd.s32 s2, s17  }
0x8e: {  	[smem:$0x3FC2] =	sst s2  }
0x8f: {  	_ = 	snop  }
0x90: {  	s2 =	sld [smem:$0x3FD0];
	(tm) =	ssettm $0x1  }
0x91: {  	s18 =	sld [smem:$0x3FFB];
	_ =	sdelay $0x3  }
0x92: {  	_ =	strace s18  }
0x93: {  	s3 =	sld [smem:$0x3FFC];
	_ =	sdelay $0x3  }
0x94: {  	_ =	strace s3  }
0x95: {  	s3 =	sld [smem:$0x3FFD];
	_ =	sdelay $0x3  }
0x96: {  	_ =	strace s3  }
0x97: {  	_ =	strace $0x8FFFFFFF  }
0x98: {  	s19 =	sld [smem:$0x3FDB];
	_ =	sdelay $0x1  }
0x99: {  	s4 =	simm.s32 $_scs_section_size  }
0x9a: {  	s5 =	simm.s32 $_size__tile_overlayer_lowered;
	s6 =	simm.s32 $_tile_overlayer_lowered  }
0x9b: {  	s22 =	simm.s32 $0x1BFF;
	s21 =	sshll.u32 s6, $0x1;
	s3 =	sadd.s32 s4, s19  }
0x9c: {  	s7 =	simm.s32 $0x0;
	s20 =	sshll.u32 s5, $0x1;
	s5 =	sadd.s32 s21, s3  }
0x9d: {  	[timem:s7], [sflag:s22] =	dma.local [hbm:s5], s20  }
0x9e: {  	_ =	swait.ge [sflag:s22], s20  }
0x9f: {  	s4 =	ssub.s32 $0x0, s20;
	[sflag:s22] =	ssyncset.done $0x0  }
0xa0: {  	[sflag:s22] =	ssyncadd.s32 s4;
	_ =	sdelay $0x1  }
0xa1: {  	s23 =	simm.s32 $0x1B8B  }
0xa2: {  	_ =	swait.ge [sflag:s23], $0x1  }
0xa3: {  	[sflag:s23] =	ssyncset.done $0x0  }
0xa4: {  	s25 =	simm.s32 $0x1B8E;
	s24 =	sld [smem:$0x3FFE];
	[sflag:s23] =	ssyncadd.s32 $0xFFFFFFFF  }
0xa5: {  	s26 =	simm.s32 $execute0_lowered;
	[smem:$0x3FD2] =	sst s25  }
0xa6: {  	s5 =	sshll.u32 s26, $0x1;
	_ =	strace $0x8000004C;
	[dreg:$0x1] =	wrdreg $0xFFFFFFFF  }
0xa7: {  	s28 =	simm.s32 $_size_execute0_lowered;
	s3 =	sadd.s32 s3, s5;
	[dreg:$0x0] =	wrdreg $0x0  }
0xa8: {  	s5 =	sshll.u32 s28, $0x1;
	[dreg:$0x2] =	wrdreg s3  }
0xa9: {  	[dreg:$0x3] =	wrdreg s5  }
0xaa: {  	[dreg:$0x4] =	wrdreg $0xC0  }
0xab: {  	_ =	task [dreg:s7], $0x5FFFF  }
0xac: {  	[dreg:$0x1] =	wrdreg $0xFFFFFFFF  }
0xad: {  	[dreg:$0x0] =	wrdreg $0x60  }
0xae: {  	[dreg:$0x2] =	wrdreg s2  }
0xaf: {  	[dreg:$0x3] =	wrdreg s24  }
0xb0: {  	[dreg:$0x4] =	wrdreg $0x88000  }
0xb1: {  	[dreg:$0x5] =	wrdreg $0x9  }
0xb2: {  	_ =	task.clear_ibuf [dreg:s7], $0x6FFFF;
	_ =	strace $0x9000004C  }
0xb3: {  	s29 =	simm.s32 $0x9;
	_ =	strace $0x8000004E  }
0xb4: {  	_ =	swait.ge [sflag:s29], $0x1  }
0xb5: {  	[sflag:s29] =	ssyncadd.s32 $0xFFFFFFFF  }
0xb6: {  	_ =	strace $0x9000004E  }
0xb7: {  	_ =	sfence  }
0xb8: {  	s30 =	sld [smem:$0x0];
	_ =	sdelay $0x2  }
0xb9: {  	s31 =	sshll.u32 s1, $0xD;
	s1 =	sshrl.u32 s1, $0x2  }
0xba: {  	s3 =	sand.u32 $0x4000, s31;
	s1 =	sadd.s32 s1, s30  }
0xbb: {  	s0 =	sor.u32 s3, s0;
	s1 =	sshll.u32 s1, $0x11  }
0xbc: {  	s0 =	sor.u32 s1, s0  }
0xbd: {  	s0 =	sadd.s32 $0x8F2B, s0  }
0xbe: {  	[sflag:s0] =	ssyncadd.remote.s32 $0x1  }
0xbf: {  	_ =	sfence.sel $0xFFFF  }
0xc0: {  	[dreg:$0x0] =	wrdreg $0xFFFFFFFF;
	(pc) =	sbr.abs _section_cstart, $3  }
0xc1: {  	[dreg:$0x1] =	wrdreg $0xFFFFFFFF  }
0xc2: {  	_ =	task.clear_ibuf [dreg:s7], $0x2FFFF;
	_ =	strace $0x9FFFFFFF  }
0xc3: {  	(tm) =	ssettm $0x7FFFFFFF  }
tec
execute0_lowered:
.L_overlay_start_1:
0x0: {  	(tag) =	ssettag $0x1  }
0x1: {  	s0 =	srdreg.scid  }
0x2: {  	s0 =	sand.u32 $0x1, s0  }
0x3: {  	p0 =	seq.s32 s0, $0x1  }
.Ltmp0:
0x4: {  	s8 =	rddreg [dreg:$0x0];
	(pc) =	sbr.rel @p0 .LBB2_6-.Ltmp0, $4  }
0x5: {  	s3 =	rddreg [dreg:$0x1]  }
0x6: {  	s2 =	rddreg [dreg:$0x2];
	s1 =	simm.s32 $0x0  }
0x7: {  	[smem:$0x7FF] =	sst s1  }
0x8: {  	s4 =	rddreg [dreg:$0x3];
	s14 =	stileid.u32;
	_ =	strace $0x8000004D  }
0x9: {  	s0 =	smul.u32 $0x2800, s14  }
0xa: {  	s4 =	smul.u32 $0x50000, s14  }
0xb: {  	s9 =	sadd.s32 $0x2A00, s3  }
0xc: {  	s5 =	sadd.s32 $0xCA00, s3;
	s0 =	sadd.s32 s0, s3;
	s4 =	sshrl.u32 s4, $0x2  }
0xd: {  	s6 =	simm.s32 $0x0;
	s3 =	sadd.s32 s4, s2;
	s0 =	sadd.s32 $0x34A00, s0  }
0xe: {  	s7 =	simm.s32 $0x200;
	[dreg:$0x4] =	wrdreg s0;
	s13 =	sadd.s32 $0x4000, s3  }
0xf: {  	v0 =	vimm.f32 $0.0e+00;
	s12 =	sadd.s32 $0x8000, s3;
	s11 =	sadd.s32 $0xC000, s3;
	s10 =	sadd.s32 $0x10000, s3  }
.LBB2_2:
0x10: {  	p0 =	sne.s32 s7, $0xFE00;
	[tilespmem:s6+$0x870] =	vst v0  }
0x11: {  	[tilespmem:s6+$0x800] =	vst v0  }
0x12: {  	[tilespmem:s6+$0x810] =	vst v0  }
.Ltmp1:
0x13: {  	[tilespmem:s6+$0x820] =	vst v0;
	(pc) =	sbr.rel @p0 .LBB2_2-.Ltmp1, $4  }
0x14: {  	[tilespmem:s6+$0x830] =	vst v0  }
0x15: {  	[tilespmem:s6+$0x840] =	vst v0  }
0x16: {  	[tilespmem:s6+$0x850] =	vst v0  }
0x17: {  	[tilespmem:s6+$0x860] =	vst v0;
	s6 =	sshra.s32 s7, $0x2;
	s7 =	sadd.s32 $0x200, s7  }
0x18: {  	[tilespmem:s6+$0x870] =	vst v0  }
0x19: {  	[tilespmem:s6+$0x800] =	vst v0  }
0x1a: {  	[tilespmem:s6+$0x810] =	vst v0  }
0x1b: {  	[tilespmem:s6+$0x820] =	vst v0  }
0x1c: {  	[tilespmem:s6+$0x830] =	vst v0  }
0x1d: {  	[tilespmem:s6+$0x840] =	vst v0  }
0x1e: {  	[tilespmem:s6+$0x850] =	vst v0  }
0x1f: {  	[tilespmem:s6+$0x860] =	vst v0;
	s7 =	simm.s32 $0x800;
	s6 =	simm.s32 $0x3  }
0x20: {  	[spmem:s3] =	stream.linear.scatter [tilespmem:s7], [sflag:$0x3], $0x4000, $0x38;
	[tilespmem:$0x1C800] =	vst v63  }
0x21: {  	_ =	swait.ge [sflag:s6], $0x4000  }
0x22: {  	[sflag:s6] =	ssyncset.done $0x0  }
0x23: {  	[sflag:s6] =	ssyncadd.s32 $0xFFFFC000  }
0x24: {  	[spmem:s13] =	stream.linear.scatter [tilespmem:s7], [sflag:$0x3], $0x4000, $0x38;
	[tilespmem:$0x1C800] =	vst v63  }
0x25: {  	_ =	swait.ge [sflag:s6], $0x4000  }
0x26: {  	[sflag:s6] =	ssyncset.done $0x0  }
0x27: {  	[sflag:s6] =	ssyncadd.s32 $0xFFFFC000  }
0x28: {  	[spmem:s12] =	stream.linear.scatter [tilespmem:s7], [sflag:$0x3], $0x4000, $0x38;
	[tilespmem:$0x1C800] =	vst v63  }
0x29: {  	_ =	swait.ge [sflag:s6], $0x4000  }
0x2a: {  	[sflag:s6] =	ssyncset.done $0x0  }
0x2b: {  	[sflag:s6] =	ssyncadd.s32 $0xFFFFC000  }
0x2c: {  	[spmem:s11] =	stream.linear.scatter [tilespmem:s7], [sflag:$0x3], $0x4000, $0x38;
	[tilespmem:$0x1C800] =	vst v63  }
0x2d: {  	_ =	swait.ge [sflag:s6], $0x4000  }
0x2e: {  	[sflag:s6] =	ssyncset.done $0x0  }
0x2f: {  	[sflag:s6] =	ssyncadd.s32 $0xFFFFC000  }
0x30: {  	[spmem:s10] =	stream.linear.scatter [tilespmem:s7], [sflag:$0x3], $0x4000, $0x38;
	[tilespmem:$0x1C800] =	vst v63  }
0x31: {  	s0 =	smul.u32 $0xA00, s14;
	_ =	swait.ge [sflag:s6], $0x4000  }
0x32: {  	[sflag:s6] =	ssyncset.done $0x0  }
0x33: {  	s14 =	sadd.s32 s0, s8;
	[sflag:s6] =	ssyncadd.s32 $0xFFFFC000  }
0x34: {  	s8 =	sadd.s32 $0x0, s14;
	s12 =	simm.s32 $0x0;
	[bflag:$0x0] =	sbarrier.arrive $0xFFFF  }
0x35: {  	[tilespmem:s12], [sflag:$0x3] =	stream.linear.gather [hbm4b:s8+s12], $0x400, $0x38;
	[tilespmem:$0x1C800] =	vst v63  }
0x36: {  	_ =	swait.ge [sflag:s6], $0x400  }
0x37: {  	s15 =	sadd.s32 s0, s9;
	[sflag:s6] =	ssyncset.done $0x0  }
0x38: {  	s0 =	sadd.s32 $0x0, s15;
	s13 =	simm.s32 $0x400;
	[sflag:s6] =	ssyncadd.s32 $0xFFFFFC00  }
0x39: {  	[tilespmem:s13], [sflag:$0x3] =	stream.linear.gather [hbm4b:s0+s12], $0x400, $0x38;
	[tilespmem:$0x1C800] =	vst v63  }
0x3a: {  	_ =	swait.ge [sflag:s6], $0x400  }
0x3b: {  	[sflag:s6] =	ssyncset.done $0x0  }
0x3c: {  	s8 =	simm.s32 $0x80;
	[sflag:s6] =	ssyncadd.s32 $0xFFFFFC00  }
0x3d: {  	[tilespmem:s7], [sflag:$0x1] =	stream.indirect.gather [hbm4b:s5+s8], $0x80, s12, s8, $0xb8;
	[tilespmem:$0x1C800] =	vst v63  }
0x3e: {  	s9 =	simm.s32 $0x4800;
	s10 =	simm.s32 $0x1  }
0x3f: {  	[tilespmem:s9], [sflag:$0x2] =	stream.indirect.gather [hbm4b:s5+s8], $0x80, s8, s8, $0xb8;
	[tilespmem:$0x1C800] =	vst v63  }
0x40: {  	_ =	swait.ge [sflag:s10], $0x4000  }
0x41: {  	[sflag:s10] =	ssyncset.done $0x0  }
0x42: {  	[sflag:s10] =	ssyncadd.s32 $0xFFFFC000  }
0x43: {  	[spmem:s2] =	stream.indirect.scatter.add.f32 [tilespmem:s7], [sflag:$0x3], $0x80, s13, s8, $0xb8;
	[tilespmem:$0x1C800] =	vst v63  }
0x44: {  	_ =	swait.ge [sflag:s6], $0x4000  }
0x45: {  	[sflag:s6] =	ssyncset.done $0x0  }
0x46: {  	s16 =	simm.s32 $0x100;
	s11 =	simm.s32 $0x2;
	[sflag:s6] =	ssyncadd.s32 $0xFFFFC000  }
0x47: {  	[tilespmem:s7], [sflag:$0x1] =	stream.indirect.gather [hbm4b:s5+s8], $0x80, s16, s8, $0xb8;
	[tilespmem:$0x1C800] =	vst v63  }
0x48: {  	_ =	swait.ge [sflag:s11], $0x4000  }
0x49: {  	[sflag:s11] =	ssyncset.done $0x0  }
0x4a: {  	s17 =	simm.s32 $0x480;
	[sflag:s11] =	ssyncadd.s32 $0xFFFFC000  }
0x4b: {  	[spmem:s2] =	stream.indirect.scatter.add.f32 [tilespmem:s9], [sflag:$0x3], $0x80, s17, s8, $0xb8;
	[tilespmem:$0x1C800] =	vst v63  }
0x4c: {  	_ =	swait.ge [sflag:s6], $0x4000  }
0x4d: {  	[sflag:s6] =	ssyncset.done $0x0  }
0x4e: {  	s18 =	simm.s32 $0x180;
	[sflag:s6] =	ssyncadd.s32 $0xFFFFC000  }
0x4f: {  	[tilespmem:s9], [sflag:$0x2] =	stream.indirect.gather [hbm4b:s5+s8], $0x80, s18, s8, $0xb8;
	[tilespmem:$0x1C800] =	vst v63  }
0x50: {  	_ =	swait.ge [sflag:s10], $0x4000  }
0x51: {  	[sflag:s10] =	ssyncset.done $0x0  }
0x52: {  	s19 =	simm.s32 $0x500;
	[sflag:s10] =	ssyncadd.s32 $0xFFFFC000  }
0x53: {  	[spmem:s2] =	stream.indirect.scatter.add.f32 [tilespmem:s7], [sflag:$0x3], $0x80, s19, s8, $0xb8;
	[tilespmem:$0x1C800] =	vst v63  }
0x54: {  	_ =	swait.ge [sflag:s6], $0x4000  }
0x55: {  	[sflag:s6] =	ssyncset.done $0x0  }
0x56: {  	s20 =	simm.s32 $0x200;
	[sflag:s6] =	ssyncadd.s32 $0xFFFFC000  }
0x57: {  	[tilespmem:s7], [sflag:$0x1] =	stream.indirect.gather [hbm4b:s5+s8], $0x80, s20, s8, $0xb8;
	[tilespmem:$0x1C800] =	vst v63  }
0x58: {  	_ =	swait.ge [sflag:s11], $0x4000  }
0x59: {  	[sflag:s11] =	ssyncset.done $0x0  }
0x5a: {  	s21 =	simm.s32 $0x580;
	[sflag:s11] =	ssyncadd.s32 $0xFFFFC000  }
0x5b: {  	[spmem:s2] =	stream.indirect.scatter.add.f32 [tilespmem:s9], [sflag:$0x3], $0x80, s21, s8, $0xb8;
	[tilespmem:$0x1C800] =	vst v63  }
0x5c: {  	_ =	swait.ge [sflag:s6], $0x4000  }
0x5d: {  	[sflag:s6] =	ssyncset.done $0x0  }
0x5e: {  	s22 =	simm.s32 $0x280;
	[sflag:s6] =	ssyncadd.s32 $0xFFFFC000  }
0x5f: {  	[tilespmem:s9], [sflag:$0x2] =	stream.indirect.gather [hbm4b:s5+s8], $0x80, s22, s8, $0xb8;
	[tilespmem:$0x1C800] =	vst v63  }
0x60: {  	_ =	swait.ge [sflag:s10], $0x4000  }
0x61: {  	[sflag:s10] =	ssyncset.done $0x0  }
0x62: {  	s23 =	simm.s32 $0x600;
	[sflag:s10] =	ssyncadd.s32 $0xFFFFC000  }
0x63: {  	[spmem:s2] =	stream.indirect.scatter.add.f32 [tilespmem:s7], [sflag:$0x3], $0x80, s23, s8, $0xb8;
	[tilespmem:$0x1C800] =	vst v63  }
0x64: {  	_ =	swait.ge [sflag:s6], $0x4000  }
0x65: {  	[sflag:s6] =	ssyncset.done $0x0  }
0x66: {  	s24 =	simm.s32 $0x300;
	[sflag:s6] =	ssyncadd.s32 $0xFFFFC000  }
0x67: {  	[tilespmem:s7], [sflag:$0x1] =	stream.indirect.gather [hbm4b:s5+s8], $0x80, s24, s8, $0xb8;
	[tilespmem:$0x1C800] =	vst v63  }
0x68: {  	_ =	swait.ge [sflag:s11], $0x4000  }
0x69: {  	[sflag:s11] =	ssyncset.done $0x0  }
0x6a: {  	s25 =	simm.s32 $0x680;
	[sflag:s11] =	ssyncadd.s32 $0xFFFFC000  }
0x6b: {  	[spmem:s2] =	stream.indirect.scatter.add.f32 [tilespmem:s9], [sflag:$0x3], $0x80, s25, s8, $0xb8;
	[tilespmem:$0x1C800] =	vst v63  }
0x6c: {  	_ =	swait.ge [sflag:s6], $0x4000  }
0x6d: {  	[sflag:s6] =	ssyncset.done $0x0  }
0x6e: {  	s26 =	simm.s32 $0x380;
	[sflag:s6] =	ssyncadd.s32 $0xFFFFC000  }
0x6f: {  	[tilespmem:s9], [sflag:$0x2] =	stream.indirect.gather [hbm4b:s5+s8], $0x80, s26, s8, $0xb8;
	[tilespmem:$0x1C800] =	vst v63  }
0x70: {  	_ =	swait.ge [sflag:s10], $0x4000  }
0x71: {  	[sflag:s10] =	ssyncset.done $0x0  }
0x72: {  	s28 =	simm.s32 $0x700;
	[sflag:s10] =	ssyncadd.s32 $0xFFFFC000  }
0x73: {  	[spmem:s2] =	stream.indirect.scatter.add.f32 [tilespmem:s7], [sflag:$0x3], $0x80, s28, s8, $0xb8;
	[tilespmem:$0x1C800] =	vst v63  }
0x74: {  	_ =	swait.ge [sflag:s6], $0x4000  }
0x75: {  	[sflag:s6] =	ssyncset.done $0x0  }
0x76: {  	[sflag:s6] =	ssyncadd.s32 $0xFFFFC000  }
0x77: {  	_ =	swait.ge [sflag:s11], $0x4000  }
0x78: {  	[sflag:s11] =	ssyncset.done $0x0  }
0x79: {  	s29 =	simm.s32 $0x780;
	[sflag:s11] =	ssyncadd.s32 $0xFFFFC000  }
0x7a: {  	[spmem:s2] =	stream.indirect.scatter.add.f32 [tilespmem:s9], [sflag:$0x3], $0x80, s29, s8, $0xb8;
	[tilespmem:$0x1C800] =	vst v63  }
0x7b: {  	_ =	swait.ge [sflag:s6], $0x4000  }
0x7c: {  	s30 =	simm.s32 $0x80;
	s31 =	simm.s32 $0x100;
	[sflag:s6] =	ssyncset.done $0x0  }
.LBB2_4:
0x7d: {  	s4 =	sadd.s32 s30, s14  }
0x7e: {  	[sflag:s6] =	ssyncadd.s32 $0xFFFFC000;
	s1 =	smov.u32 s31;
	s0 =	sadd.s32 $0x80, s31  }
0x7f: {  	[tilespmem:s12], [sflag:$0x3] =	stream.linear.gather [hbm4b:s4+s12], $0x400, $0x38;
	[tilespmem:$0x1C800] =	vst v63  }
0x80: {  	p0 =	sne.s32 s31, $0x980;
	_ =	swait.ge [sflag:s6], $0x400  }
0x81: {  	[sflag:s6] =	ssyncset.done $0x0  }
0x82: {  	s4 =	sadd.s32 s30, s15;
	s30 =	smov.u32 s1;
	[sflag:s6] =	ssyncadd.s32 $0xFFFFFC00  }
0x83: {  	[tilespmem:s13], [sflag:$0x3] =	stream.linear.gather [hbm4b:s4+s12], $0x400, $0x38;
	[tilespmem:$0x1C800] =	vst v63  }
0x84: {  	_ =	swait.ge [sflag:s6], $0x400  }
0x85: {  	[sflag:s6] =	ssyncset.done $0x0  }
0x86: {  	[sflag:s6] =	ssyncadd.s32 $0xFFFFFC00  }
0x87: {  	[tilespmem:s7], [sflag:$0x1] =	stream.indirect.gather [hbm4b:s5+s8], $0x80, s12, s8, $0xb8;
	[tilespmem:$0x1C800] =	vst v63  }
0x88: {  	_ = 	snop  }
0x89: {  	[tilespmem:s9], [sflag:$0x2] =	stream.indirect.gather [hbm4b:s5+s8], $0x80, s8, s8, $0xb8;
	[tilespmem:$0x1C800] =	vst v63  }
0x8a: {  	_ =	swait.ge [sflag:s10], $0x4000  }
0x8b: {  	[sflag:s10] =	ssyncset.done $0x0  }
0x8c: {  	[sflag:s10] =	ssyncadd.s32 $0xFFFFC000  }
0x8d: {  	[spmem:s2] =	stream.indirect.scatter.add.f32 [tilespmem:s7], [sflag:$0x3], $0x80, s13, s8, $0xb8;
	[tilespmem:$0x1C800] =	vst v63  }
0x8e: {  	_ =	swait.ge [sflag:s6], $0x4000  }
0x8f: {  	[sflag:s6] =	ssyncset.done $0x0  }
0x90: {  	[sflag:s6] =	ssyncadd.s32 $0xFFFFC000  }
0x91: {  	[tilespmem:s7], [sflag:$0x1] =	stream.indirect.gather [hbm4b:s5+s8], $0x80, s16, s8, $0xb8;
	[tilespmem:$0x1C800] =	vst v63  }
0x92: {  	_ =	swait.ge [sflag:s11], $0x4000  }
0x93: {  	[sflag:s11] =	ssyncset.done $0x0  }
0x94: {  	[sflag:s11] =	ssyncadd.s32 $0xFFFFC000  }
0x95: {  	[spmem:s2] =	stream.indirect.scatter.add.f32 [tilespmem:s9], [sflag:$0x3], $0x80, s17, s8, $0xb8;
	[tilespmem:$0x1C800] =	vst v63  }
0x96: {  	_ =	swait.ge [sflag:s6], $0x4000  }
0x97: {  	[sflag:s6] =	ssyncset.done $0x0  }
0x98: {  	[sflag:s6] =	ssyncadd.s32 $0xFFFFC000  }
0x99: {  	[tilespmem:s9], [sflag:$0x2] =	stream.indirect.gather [hbm4b:s5+s8], $0x80, s18, s8, $0xb8;
	[tilespmem:$0x1C800] =	vst v63  }
0x9a: {  	_ =	swait.ge [sflag:s10], $0x4000  }
0x9b: {  	[sflag:s10] =	ssyncset.done $0x0  }
0x9c: {  	[sflag:s10] =	ssyncadd.s32 $0xFFFFC000  }
0x9d: {  	[spmem:s2] =	stream.indirect.scatter.add.f32 [tilespmem:s7], [sflag:$0x3], $0x80, s19, s8, $0xb8;
	[tilespmem:$0x1C800] =	vst v63  }
0x9e: {  	_ =	swait.ge [sflag:s6], $0x4000  }
0x9f: {  	[sflag:s6] =	ssyncset.done $0x0  }
0xa0: {  	[sflag:s6] =	ssyncadd.s32 $0xFFFFC000  }
0xa1: {  	[tilespmem:s7], [sflag:$0x1] =	stream.indirect.gather [hbm4b:s5+s8], $0x80, s20, s8, $0xb8;
	[tilespmem:$0x1C800] =	vst v63  }
0xa2: {  	_ =	swait.ge [sflag:s11], $0x4000  }
0xa3: {  	[sflag:s11] =	ssyncset.done $0x0  }
0xa4: {  	[sflag:s11] =	ssyncadd.s32 $0xFFFFC000  }
0xa5: {  	[spmem:s2] =	stream.indirect.scatter.add.f32 [tilespmem:s9], [sflag:$0x3], $0x80, s21, s8, $0xb8;
	[tilespmem:$0x1C800] =	vst v63  }
0xa6: {  	_ =	swait.ge [sflag:s6], $0x4000  }
0xa7: {  	[sflag:s6] =	ssyncset.done $0x0  }
0xa8: {  	[sflag:s6] =	ssyncadd.s32 $0xFFFFC000  }
0xa9: {  	[tilespmem:s9], [sflag:$0x2] =	stream.indirect.gather [hbm4b:s5+s8], $0x80, s22, s8, $0xb8;
	[tilespmem:$0x1C800] =	vst v63  }
0xaa: {  	_ =	swait.ge [sflag:s10], $0x4000  }
0xab: {  	[sflag:s10] =	ssyncset.done $0x0  }
0xac: {  	[sflag:s10] =	ssyncadd.s32 $0xFFFFC000  }
0xad: {  	[spmem:s2] =	stream.indirect.scatter.add.f32 [tilespmem:s7], [sflag:$0x3], $0x80, s23, s8, $0xb8;
	[tilespmem:$0x1C800] =	vst v63  }
0xae: {  	_ =	swait.ge [sflag:s6], $0x4000  }
0xaf: {  	[sflag:s6] =	ssyncset.done $0x0  }
0xb0: {  	[sflag:s6] =	ssyncadd.s32 $0xFFFFC000  }
0xb1: {  	[tilespmem:s7], [sflag:$0x1] =	stream.indirect.gather [hbm4b:s5+s8], $0x80, s24, s8, $0xb8;
	[tilespmem:$0x1C800] =	vst v63  }
0xb2: {  	_ =	swait.ge [sflag:s11], $0x4000  }
0xb3: {  	[sflag:s11] =	ssyncset.done $0x0  }
0xb4: {  	[sflag:s11] =	ssyncadd.s32 $0xFFFFC000  }
0xb5: {  	[spmem:s2] =	stream.indirect.scatter.add.f32 [tilespmem:s9], [sflag:$0x3], $0x80, s25, s8, $0xb8;
	[tilespmem:$0x1C800] =	vst v63  }
0xb6: {  	_ =	swait.ge [sflag:s6], $0x4000  }
0xb7: {  	[sflag:s6] =	ssyncset.done $0x0  }
0xb8: {  	[sflag:s6] =	ssyncadd.s32 $0xFFFFC000  }
0xb9: {  	[tilespmem:s9], [sflag:$0x2] =	stream.indirect.gather [hbm4b:s5+s8], $0x80, s26, s8, $0xb8;
	[tilespmem:$0x1C800] =	vst v63  }
0xba: {  	_ =	swait.ge [sflag:s10], $0x4000  }
0xbb: {  	[sflag:s10] =	ssyncset.done $0x0  }
0xbc: {  	[sflag:s10] =	ssyncadd.s32 $0xFFFFC000  }
0xbd: {  	[spmem:s2] =	stream.indirect.scatter.add.f32 [tilespmem:s7], [sflag:$0x3], $0x80, s28, s8, $0xb8;
	[tilespmem:$0x1C800] =	vst v63  }
0xbe: {  	_ =	swait.ge [sflag:s6], $0x4000  }
0xbf: {  	[sflag:s6] =	ssyncset.done $0x0  }
0xc0: {  	[sflag:s6] =	ssyncadd.s32 $0xFFFFC000  }
0xc1: {  	_ =	swait.ge [sflag:s11], $0x4000  }
.Ltmp2:
0xc2: {  	[sflag:s11] =	ssyncset.done $0x0;
	(pc) =	sbr.rel @p0 .LBB2_4-.Ltmp2, $4  }
0xc3: {  	[sflag:s11] =	ssyncadd.s32 $0xFFFFC000  }
0xc4: {  	[spmem:s2] =	stream.indirect.scatter.add.f32 [tilespmem:s9], [sflag:$0x3], $0x80, s29, s8, $0xb8;
	[tilespmem:$0x1C800] =	vst v63  }
0xc5: {  	_ =	swait.ge [sflag:s6], $0x4000  }
0xc6: {  	s31 =	smov.u32 s0;
	[sflag:s6] =	ssyncset.done $0x0  }
0xc7: {  	s0 =	sadd.s32 s30, s14;
	[sflag:s6] =	ssyncadd.s32 $0xFFFFC000  }
0xc8: {  	[tilespmem:s12], [sflag:$0x3] =	stream.linear.gather [hbm4b:s0+s12], $0x400, $0x38;
	[tilespmem:$0x1C800] =	vst v63  }
0xc9: {  	_ =	swait.ge [sflag:s6], $0x400  }
0xca: {  	[sflag:s6] =	ssyncset.done $0x0  }
0xcb: {  	s15 =	sadd.s32 s30, s15;
	[sflag:s6] =	ssyncadd.s32 $0xFFFFFC00  }
0xcc: {  	[tilespmem:s13], [sflag:$0x3] =	stream.linear.gather [hbm4b:s15+s12], $0x400, $0x38;
	[tilespmem:$0x1C800] =	vst v63  }
0xcd: {  	_ =	swait.ge [sflag:s6], $0x400  }
0xce: {  	[sflag:s6] =	ssyncset.done $0x0  }
0xcf: {  	[sflag:s6] =	ssyncadd.s32 $0xFFFFFC00  }
0xd0: {  	[tilespmem:s7], [sflag:$0x1] =	stream.indirect.gather [hbm4b:s5+s8], $0x80, s12, s8, $0xb8;
	[tilespmem:$0x1C800] =	vst v63  }
0xd1: {  	_ = 	snop  }
0xd2: {  	[tilespmem:s9], [sflag:$0x2] =	stream.indirect.gather [hbm4b:s5+s8], $0x80, s8, s8, $0xb8;
	[tilespmem:$0x1C800] =	vst v63  }
0xd3: {  	_ =	swait.ge [sflag:s10], $0x4000  }
0xd4: {  	[sflag:s10] =	ssyncset.done $0x0  }
0xd5: {  	[sflag:s10] =	ssyncadd.s32 $0xFFFFC000  }
0xd6: {  	[spmem:s2] =	stream.indirect.scatter.add.f32 [tilespmem:s7], [sflag:$0x3], $0x80, s13, s8, $0xb8;
	[tilespmem:$0x1C800] =	vst v63  }
0xd7: {  	_ =	swait.ge [sflag:s6], $0x4000  }
0xd8: {  	[sflag:s6] =	ssyncset.done $0x0  }
0xd9: {  	[sflag:s6] =	ssyncadd.s32 $0xFFFFC000  }
0xda: {  	[tilespmem:s7], [sflag:$0x1] =	stream.indirect.gather [hbm4b:s5+s8], $0x80, s16, s8, $0xb8;
	[tilespmem:$0x1C800] =	vst v63  }
0xdb: {  	_ =	swait.ge [sflag:s11], $0x4000  }
0xdc: {  	[sflag:s11] =	ssyncset.done $0x0  }
0xdd: {  	[sflag:s11] =	ssyncadd.s32 $0xFFFFC000  }
0xde: {  	[spmem:s2] =	stream.indirect.scatter.add.f32 [tilespmem:s9], [sflag:$0x3], $0x80, s17, s8, $0xb8;
	[tilespmem:$0x1C800] =	vst v63  }
0xdf: {  	_ =	swait.ge [sflag:s6], $0x4000  }
0xe0: {  	[sflag:s6] =	ssyncset.done $0x0  }
0xe1: {  	[sflag:s6] =	ssyncadd.s32 $0xFFFFC000  }
0xe2: {  	[tilespmem:s9], [sflag:$0x2] =	stream.indirect.gather [hbm4b:s5+s8], $0x80, s18, s8, $0xb8;
	[tilespmem:$0x1C800] =	vst v63  }
0xe3: {  	_ =	swait.ge [sflag:s10], $0x4000  }
0xe4: {  	[sflag:s10] =	ssyncset.done $0x0  }
0xe5: {  	[sflag:s10] =	ssyncadd.s32 $0xFFFFC000  }
0xe6: {  	[spmem:s2] =	stream.indirect.scatter.add.f32 [tilespmem:s7], [sflag:$0x3], $0x80, s19, s8, $0xb8;
	[tilespmem:$0x1C800] =	vst v63  }
0xe7: {  	_ =	swait.ge [sflag:s6], $0x4000  }
0xe8: {  	[sflag:s6] =	ssyncset.done $0x0  }
0xe9: {  	[sflag:s6] =	ssyncadd.s32 $0xFFFFC000  }
0xea: {  	[tilespmem:s7], [sflag:$0x1] =	stream.indirect.gather [hbm4b:s5+s8], $0x80, s20, s8, $0xb8;
	[tilespmem:$0x1C800] =	vst v63  }
0xeb: {  	_ =	swait.ge [sflag:s11], $0x4000  }
0xec: {  	[sflag:s11] =	ssyncset.done $0x0  }
0xed: {  	[sflag:s11] =	ssyncadd.s32 $0xFFFFC000  }
0xee: {  	[spmem:s2] =	stream.indirect.scatter.add.f32 [tilespmem:s9], [sflag:$0x3], $0x80, s21, s8, $0xb8;
	[tilespmem:$0x1C800] =	vst v63  }
0xef: {  	_ =	swait.ge [sflag:s6], $0x4000  }
0xf0: {  	[sflag:s6] =	ssyncset.done $0x0  }
0xf1: {  	[sflag:s6] =	ssyncadd.s32 $0xFFFFC000  }
0xf2: {  	[tilespmem:s9], [sflag:$0x2] =	stream.indirect.gather [hbm4b:s5+s8], $0x80, s22, s8, $0xb8;
	[tilespmem:$0x1C800] =	vst v63  }
0xf3: {  	_ =	swait.ge [sflag:s10], $0x4000  }
0xf4: {  	[sflag:s10] =	ssyncset.done $0x0  }
0xf5: {  	[sflag:s10] =	ssyncadd.s32 $0xFFFFC000  }
0xf6: {  	[spmem:s2] =	stream.indirect.scatter.add.f32 [tilespmem:s7], [sflag:$0x3], $0x80, s23, s8, $0xb8;
	[tilespmem:$0x1C800] =	vst v63  }
0xf7: {  	_ =	swait.ge [sflag:s6], $0x4000  }
0xf8: {  	[sflag:s6] =	ssyncset.done $0x0  }
0xf9: {  	[sflag:s6] =	ssyncadd.s32 $0xFFFFC000  }
0xfa: {  	[tilespmem:s7], [sflag:$0x1] =	stream.indirect.gather [hbm4b:s5+s8], $0x80, s24, s8, $0xb8;
	[tilespmem:$0x1C800] =	vst v63  }
0xfb: {  	_ =	swait.ge [sflag:s11], $0x4000  }
0xfc: {  	[sflag:s11] =	ssyncset.done $0x0  }
0xfd: {  	[sflag:s11] =	ssyncadd.s32 $0xFFFFC000  }
0xfe: {  	[spmem:s2] =	stream.indirect.scatter.add.f32 [tilespmem:s9], [sflag:$0x3], $0x80, s25, s8, $0xb8;
	[tilespmem:$0x1C800] =	vst v63  }
0xff: {  	_ =	swait.ge [sflag:s6], $0x4000  }
0x100: {  	[sflag:s6] =	ssyncset.done $0x0  }
0x101: {  	[sflag:s6] =	ssyncadd.s32 $0xFFFFC000  }
0x102: {  	[tilespmem:s9], [sflag:$0x2] =	stream.indirect.gather [hbm4b:s5+s8], $0x80, s26, s8, $0xb8;
	[tilespmem:$0x1C800] =	vst v63  }
0x103: {  	_ =	swait.ge [sflag:s10], $0x4000  }
0x104: {  	[sflag:s10] =	ssyncset.done $0x0  }
0x105: {  	[sflag:s10] =	ssyncadd.s32 $0xFFFFC000  }
0x106: {  	[spmem:s2] =	stream.indirect.scatter.add.f32 [tilespmem:s7], [sflag:$0x3], $0x80, s28, s8, $0xb8;
	[tilespmem:$0x1C800] =	vst v63  }
0x107: {  	_ =	swait.ge [sflag:s6], $0x4000  }
0x108: {  	[sflag:s6] =	ssyncset.done $0x0  }
0x109: {  	[sflag:s6] =	ssyncadd.s32 $0xFFFFC000  }
0x10a: {  	_ =	swait.ge [sflag:s11], $0x4000  }
0x10b: {  	[sflag:s11] =	ssyncset.done $0x0  }
0x10c: {  	[sflag:s11] =	ssyncadd.s32 $0xFFFFC000  }
0x10d: {  	[spmem:s2] =	stream.indirect.scatter.add.f32 [tilespmem:s9], [sflag:$0x3], $0x80, s29, s8, $0xb8;
	[tilespmem:$0x1C800] =	vst v63  }
0x10e: {  	_ =	swait.ge [sflag:s6], $0x4000  }
0x10f: {  	[sflag:s6] =	ssyncset.done $0x0  }
0x110: {  	s14 =	stileid.u32;
	[sflag:s6] =	ssyncadd.s32 $0xFFFFC000  }
0x111: {  	s1 =	sshrl.u32 s3, $0x3;
	s29 =	sshll.u32 s14, $0x6;
	[bflag:$0x0] =	sbarrier.arrive $0xFFFF  }
0x112: {  	s31 =	simm.s32 $0x3;
	s0 =	sor.u32 $0x1C03, s29;
	s30 =	rddreg [dreg:$0x4]  }
0x113: {  	[hbm:s30], [sflag:s0] =	dma.local [spmem:s1], $0x2800  }
0x114: {  	_ =	swait.ge [sflag:s31], $0x2800  }
0x115: {  	[sflag:s31] =	ssyncset.done $0x0  }
0x116: {  	[sflag:s31] =	ssyncadd.s32 $0xFFFFD800  }
0x117: {  	s4 =	rddreg [dreg:$0x3]  }
.LBB2_6:
0x118: {  	_ =	sfence.sel $0x180000  }
0x119: {  	[bflag:$0x0] =	sbarrier.arrive $0xFFFF  }
0x11a: {  	p0 =	sne.s32 s14, $0x0;
	_ =	strace $0x9000004D  }
0x11b: {  	s0 =	sadd.s32 @!p0 $0x100000, s4;
	[bflag:$0x2] =	sbarrier.arrive $0xFFFF  }
0x11c: {  	[sflag:s0] =	ssyncadd.tile.s32 @!p0 $0x1;
	_ =	shalt  }
.Lfunc_end2:
_tile_overlayer_lowered:
.L_overlay_start_2:
0x11d: {  	(tag) =	ssettag $0x2  }
0x11e: {  	s0 =	rddreg [dreg:$0x0];
	s2 =	stileid.u32  }
0x11f: {  	s1 =	rddreg [dreg:$0x1];
	p0 =	sne.s32 s2, $0x0  }
0x120: {  	s3 =	rddreg [dreg:$0x2];
	[bflag:$0x3] =	sbarrier.arrive $0xFFFF;
	s2 =	simm.s32 @!p0 $0x1C03  }
0x121: {  	[timem:s3], [sflag:s2] =	dma.local @!p0 [hbm:s0], s1  }
0x122: {  	s0 =	simm.s32 @!p0 $0x3  }
0x123: {  	_ =	swait.ge @!p0 [sflag:s0], s1  }
0x124: {  	s1 =	ssub.s32 @!p0 $0x0, s1;
	[sflag:s0] =	ssyncset.done @!p0 $0x0  }
0x125: {  	[sflag:s0] =	ssyncadd.s32 @!p0 s1  }
0x126: {  	[bflag:$0x3] =	sbarrier.arrive $0xFFFF  }
0x127: {  	_ =	shalt  }

// kernel: kernel.8.cloned.1.call-start
scs
__scs_entry_jumppad:
0x0: {  	(pc) =	sbr.rel $0x88, $3  }
0x1: {  	(tag) =	ssettag $0x0;
	lr =	simm.s32 $0x1  }
0x2: {  	[smem:$0x3F9B] =	sst lr;
	_ =	strace $0xD0000000  }
0x3: {  	_ = 	snop  }
0x4: {  	_ = 	snop  }
0x5: {  	_ = 	snop  }
0x6: {  	_ = 	snop  }
0x7: {  	_ = 	snop  }
__scs_overlays_trampoline_lowered:
0x8: {  	[smem:$0x3FAA] =	sst s0  }
0x9: {  	[smem:$0x3FAB] =	sst s1  }
0xa: {  	[smem:$0x3FAC] =	sst s2  }
0xb: {  	[smem:$0x3FAD] =	sst s3  }
0xc: {  	[smem:$0x3FAE] =	sst s4  }
0xd: {  	[smem:$0x3FAF] =	sst s5  }
0xe: {  	[smem:$0x3FB0] =	sst s6  }
0xf: {  	[smem:$0x3FB1] =	sst s7  }
0x10: {  	[smem:$0x3FB2] =	sst s8  }
0x11: {  	[smem:$0x3FB3] =	sst s9;
	s0 =	simm.s32 @!p0 $0x0  }
0x12: {  	s1 =	sld [smem:$0x3F99];
	s0 =	simm.s32 @p0 $0x1  }
0x13: {  	[smem:$0x3FB4] =	sst s0;
	s0 =	simm.s32 @!p1 $0x0  }
0x14: {  	s2 =	sld [smem:$0x3F98];
	s0 =	simm.s32 @p1 $0x1  }
0x15: {  	[smem:$0x3FB5] =	sst s0;
	s0 =	simm.s32 @!p2 $0x0  }
0x16: {  	s3 =	sld [smem:$0x3FDB];
	s0 =	simm.s32 @p2 $0x1  }
0x17: {  	s4 =	simm.s32 $0x1BF5;
	[smem:$0x3FB7] =	sst s0  }
0x18: {  	s0 =	sld [smem:$0x3F9A];
	_ =	swait.ge [sflag:s4], $0x0  }
0x19: {  	s7 =	sld [smem:$0x3F9B]  }
0x1a: {  	s8 =	sadd.s32 $0xFFFFE003, lr  }
0x1b: {  	s9 =	sadd.s32 $0xFFFFFEF7, lr;
	s5 =	simm.s32 $0xFFFFFFFF;
	p2 =	slt.u32 s8, $0xFFFFF086  }
0x1c: {  	p1 =	slt.u32 s9, $0xF7A;
	s5 =	simm.s32 @!p2 $0x0  }
0x1d: {  	s5 =	simm.s32 @p1 $0x1;
	p0 =	seq.s32 s7, s2  }
0x1e: {  	s7 =	smul.u32 @!p0 $0xF7A, s2;
	p2 =	seq.s32 @!p0 s5, $0x0  }
0x1f: {  	s9 =	smul.u32 $0xF7A, s1;
	s8 =	simm.s32 @!p0 $0x1BF5;
	p2 =	por !p2, p0  }
0x20: {  	[sflag:s8] =	ssyncset.s32 @!p0 $0xFFFFF086;
	s6 =	sadd.s32 @!p0 s3, s7;
	s7 =	simm.s32 @!p0 $0x108  }
0x21: {  	s3 =	sadd.s32 s3, s9;
	s6 =	sadd.s32 @!p0 $0x88, s6;
	s7 =	simm.s32 @p2 $0x1082  }
0x22: {  	[simem:s7], [sflag:s8] =	dma.local @!p0 [hbm:s6], $0xF7A  }
0x23: {  	s9 =	sor.u32 $0xD0000000, s2;
	s6 =	simm.s32 $0x108;
	_ =	swait.ge @!p0 [sflag:s8], $0x0  }
0x24: {  	s3 =	sadd.s32 $0x88, s3;
	s6 =	simm.s32 @!p1 $0x1082;
	[sflag:s4] =	ssyncset.s32 $0xFFFFF086  }
0x25: {  	[simem:s6], [sflag:s4] =	dma.local [hbm:s3], $0xF7A  }
0x26: {  	[smem:$0x3F9B] =	sst s1;
	(tag) =	ssettag s2;
	_ =	strace s9  }
0x27: {  	s1 =	sld [smem:$0x3FAB]  }
0x28: {  	s2 =	sld [smem:$0x3FAC]  }
0x29: {  	s4 =	sld [smem:$0x3FAE]  }
0x2a: {  	p0 =	seq.s32 s5, $0x0;
	s5 =	sld [smem:$0x3FAF]  }
0x2b: {  	s6 =	sld [smem:$0x3FB0]  }
0x2c: {  	s7 =	sld [smem:$0x3FB1]  }
0x2d: {  	s3 =	simm.s32 $0x108;
	s8 =	sld [smem:$0x3FB2]  }
0x2e: {  	s3 =	simm.s32 @!p0 $0x1082;
	s9 =	sld [smem:$0x3FB3]  }
0x2f: {  	lr =	sadd.s32 s0, s3;
	s0 =	sld [smem:$0x3FAA]  }
0x30: {  	s3 =	sld [smem:$0x3FAD]  }
0x31: {  	[smem:$0x3FB6] =	sst s10  }
0x32: {  	s10 =	sld [smem:$0x3FB4];
	_ =	sdelay $0x3  }
0x33: {  	p0 =	seq.s32 s10, $0x1;
	s10 =	sld [smem:$0x3FB6];
	_ =	sdelay $0x3  }
0x34: {  	[smem:$0x3FB6] =	sst s10  }
0x35: {  	s10 =	sld [smem:$0x3FB5];
	_ =	sdelay $0x3  }
0x36: {  	p1 =	seq.s32 s10, $0x1;
	s10 =	sld [smem:$0x3FB6];
	_ =	sdelay $0x3  }
0x37: {  	[smem:$0x3FB6] =	sst s10  }
0x38: {  	s10 =	sld [smem:$0x3FB7]  }
0x39: {  	_ = 	snop;
	(pc) =	sbr.ind lr, $3  }
0x3a: {  	_ = 	snop  }
0x3b: {  	_ = 	snop  }
0x3c: {  	p2 =	seq.s32 s10, $0x1;
	s10 =	sld [smem:$0x3FB6]  }
0x3d: {  	_ =	shalt  }
0x3e: {  	_ =	shalt  }
0x3f: {  	_ =	shalt  }
0x40: {  	_ =	shalt  }
0x41: {  	_ =	shalt  }
0x42: {  	_ =	shalt  }
0x43: {  	_ =	shalt  }
0x44: {  	_ =	shalt  }
0x45: {  	_ =	shalt  }
0x46: {  	_ =	shalt  }
0x47: {  	_ =	shalt  }
0x48: {  	_ =	shalt  }
0x49: {  	_ =	shalt  }
0x4a: {  	_ =	shalt  }
0x4b: {  	_ =	shalt  }
0x4c: {  	_ =	shalt  }
0x4d: {  	_ =	shalt  }
0x4e: {  	_ =	shalt  }
0x4f: {  	_ =	shalt  }
0x50: {  	_ =	shalt  }
0x51: {  	_ =	shalt  }
0x52: {  	_ =	shalt  }
0x53: {  	_ =	shalt  }
0x54: {  	_ =	shalt  }
0x55: {  	_ =	shalt  }
0x56: {  	_ =	shalt  }
0x57: {  	_ =	shalt  }
0x58: {  	_ =	shalt  }
0x59: {  	_ =	shalt  }
0x5a: {  	_ =	shalt  }
0x5b: {  	_ =	shalt  }
0x5c: {  	_ =	shalt  }
0x5d: {  	_ =	shalt  }
0x5e: {  	_ =	shalt  }
0x5f: {  	_ =	shalt  }
0x60: {  	_ =	shalt  }
0x61: {  	_ =	shalt  }
0x62: {  	_ =	shalt  }
0x63: {  	_ =	shalt  }
0x64: {  	_ =	shalt  }
0x65: {  	_ =	shalt  }
0x66: {  	_ =	shalt  }
0x67: {  	_ =	shalt  }
0x68: {  	_ =	shalt  }
0x69: {  	_ =	shalt  }
0x6a: {  	_ =	shalt  }
0x6b: {  	_ =	shalt  }
0x6c: {  	_ =	shalt  }
0x6d: {  	_ =	shalt  }
0x6e: {  	_ =	shalt  }
0x6f: {  	_ =	shalt  }
0x70: {  	_ =	shalt  }
0x71: {  	_ =	shalt  }
0x72: {  	_ =	shalt  }
0x73: {  	_ =	shalt  }
0x74: {  	_ =	shalt  }
0x75: {  	_ =	shalt  }
0x76: {  	_ =	shalt  }
0x77: {  	_ =	shalt  }
0x78: {  	_ =	shalt  }
0x79: {  	_ =	shalt  }
0x7a: {  	_ =	shalt  }
0x7b: {  	_ =	shalt  }
0x7c: {  	_ =	shalt  }
0x7d: {  	_ =	shalt  }
0x7e: {  	_ =	shalt  }
0x7f: {  	_ =	shalt  }
0x80: {  	_ =	shalt  }
0x81: {  	_ =	shalt  }
0x82: {  	_ =	shalt  }
0x83: {  	_ =	shalt  }
0x84: {  	_ =	shalt  }
0x85: {  	_ =	shalt  }
0x86: {  	_ =	shalt  }
0x87: {  	_ =	shalt  }
.Lfunc_end0:
.L_simem_size_0:
called_computation_lowered:
.L_overlay_start_0:
0x88: {  	s2 =	sld [smem:$0x3FD9]  }
0x89: {  	s3 =	sld [smem:$0x3FFE];
	_ =	sdelay $0x1  }
0x8a: {  	s1 =	srdreg.scid  }
0x8b: {  	s0 =	sand.u32 $0x1, s1  }
0x8c: {  	s16 =	sshll.u32 s0, $0xA;
	s2 =	sadd.s32 s3, s2  }
0x8d: {  	s2 =	sadd.s32 s2, s16  }
0x8e: {  	[smem:$0x3FC2] =	sst s2  }
0x8f: {  	_ = 	snop  }
0x90: {  	(tm) =	ssettm $0x1  }
0x91: {  	s17 =	sld [smem:$0x3FFB];
	_ =	sdelay $0x3  }
0x92: {  	_ =	strace s17  }
0x93: {  	s2 =	sld [smem:$0x3FFC];
	_ =	sdelay $0x3  }
0x94: {  	_ =	strace s2  }
0x95: {  	s2 =	sld [smem:$0x3FFD];
	_ =	sdelay $0x3  }
0x96: {  	_ =	strace s2  }
0x97: {  	_ =	strace $0x8FFFFFFF  }
0x98: {  	s18 =	sld [smem:$0x3FDB];
	_ =	sdelay $0x1  }
0x99: {  	s19 =	simm.s32 $_scs_section_size  }
0x9a: {  	s4 =	simm.s32 $_size__tile_overlayer_lowered;
	s5 =	simm.s32 $_tile_overlayer_lowered  }
0x9b: {  	s22 =	simm.s32 $0x1BFF;
	s21 =	sshll.u32 s5, $0x1;
	s2 =	sadd.s32 s19, s18  }
0x9c: {  	s6 =	simm.s32 $0x0;
	s20 =	sshll.u32 s4, $0x1;
	s4 =	sadd.s32 s21, s2  }
0x9d: {  	[timem:s6], [sflag:s22] =	dma.local [hbm:s4], s20  }
0x9e: {  	_ =	swait.ge [sflag:s22], s20  }
0x9f: {  	s3 =	ssub.s32 $0x0, s20;
	[sflag:s22] =	ssyncset.done $0x0  }
0xa0: {  	[sflag:s22] =	ssyncadd.s32 s3;
	_ =	sdelay $0x1  }
0xa1: {  	s23 =	simm.s32 $0x1B8B  }
0xa2: {  	_ =	swait.ge [sflag:s23], $0x1  }
0xa3: {  	[sflag:s23] =	ssyncset.done $0x0  }
0xa4: {  	s25 =	simm.s32 $0x1B8E;
	s24 =	sld [smem:$0x3FFE];
	[sflag:s23] =	ssyncadd.s32 $0xFFFFFFFF  }
0xa5: {  	s26 =	simm.s32 $execute0_lowered;
	[smem:$0x3FD2] =	sst s25  }
0xa6: {  	s4 =	sshll.u32 s26, $0x1;
	_ =	strace $0x80000046;
	[dreg:$0x1] =	wrdreg $0xFFFFFFFF  }
0xa7: {  	s28 =	simm.s32 $_size_execute0_lowered;
	s2 =	sadd.s32 s2, s4;
	[dreg:$0x0] =	wrdreg $0x0  }
0xa8: {  	s4 =	sshll.u32 s28, $0x1;
	[dreg:$0x2] =	wrdreg s2  }
0xa9: {  	[dreg:$0x3] =	wrdreg s4  }
0xaa: {  	[dreg:$0x4] =	wrdreg $0xC0  }
0xab: {  	_ =	task [dreg:s6], $0x5FFFF  }
0xac: {  	[dreg:$0x1] =	wrdreg $0xFFFFFFFF  }
0xad: {  	[dreg:$0x0] =	wrdreg $0x60  }
0xae: {  	[dreg:$0x2] =	wrdreg s24  }
0xaf: {  	[dreg:$0x3] =	wrdreg $0x68000  }
0xb0: {  	[dreg:$0x4] =	wrdreg $0x9  }
0xb1: {  	_ =	task.clear_ibuf [dreg:s6], $0x5FFFF;
	_ =	strace $0x90000046  }
0xb2: {  	s29 =	simm.s32 $0x9;
	_ =	strace $0x80000048  }
0xb3: {  	_ =	swait.ge [sflag:s29], $0x1  }
0xb4: {  	[sflag:s29] =	ssyncadd.s32 $0xFFFFFFFF  }
0xb5: {  	_ =	strace $0x90000048  }
0xb6: {  	_ =	sfence  }
0xb7: {  	s30 =	sld [smem:$0x0];
	_ =	sdelay $0x2  }
0xb8: {  	s31 =	sshll.u32 s1, $0xD;
	s1 =	sshrl.u32 s1, $0x2  }
0xb9: {  	s3 =	sand.u32 $0x4000, s31;
	s1 =	sadd.s32 s1, s30  }
0xba: {  	s0 =	sor.u32 s3, s0;
	s1 =	sshll.u32 s1, $0x11  }
0xbb: {  	s0 =	sor.u32 s1, s0  }
0xbc: {  	s0 =	sadd.s32 $0x8F2B, s0  }
0xbd: {  	[sflag:s0] =	ssyncadd.remote.s32 $0x1  }
0xbe: {  	_ =	sfence.sel $0xFFFF  }
0xbf: {  	[dreg:$0x0] =	wrdreg $0xFFFFFFFF;
	(pc) =	sbr.abs _section_cstart, $3  }
0xc0: {  	[dreg:$0x1] =	wrdreg $0xFFFFFFFF  }
0xc1: {  	_ =	task.clear_ibuf [dreg:s6], $0x2FFFF;
	_ =	strace $0x9FFFFFFF  }
0xc2: {  	(tm) =	ssettm $0x7FFFFFFF  }
0xc3: {  	_ =	shalt  }
tec
execute0_lowered:
.L_overlay_start_1:
0x0: {  	(tag) =	ssettag $0x1  }
0x1: {  	s4 =	rddreg [dreg:$0x0];
	s0 =	srdreg.scid  }
0x2: {  	s2 =	rddreg [dreg:$0x1];
	s1 =	stileid.u32  }
0x3: {  	s3 =	simm.s32 $0x0;
	s12 =	simm.s32 $0x2800;
	s13 =	simm.s32 $0x1  }
0x4: {  	s14 =	simm.s32 $0x80;
	s5 =	sand.u32 $0x1, s0;
	s8 =	smul.u32 $0x14000, s1  }
0x5: {  	s0 =	rddreg [dreg:$0x2];
	s6 =	sshll.u32 s1, $0x1;
	s30 =	smul.u32 $0x50000, s1  }
0x6: {  	[smem:$0x7FF] =	sst s3;
	s15 =	sshll.u32 s1, $0x6;
	s7 =	smul.u32 $0x140000, s5  }
0x7: {  	s6 =	sor.u32 s5, s6;
	_ =	strace $0x80000047;
	s5 =	ssub.s32 $0x2, s5  }
0x8: {  	s15 =	sor.u32 $0x1C01, s15;
	s6 =	smul.u32 $0x500, s6;
	s7 =	sadd.s32 s8, s7  }
0x9: {  	s31 =	sshrl.u32 s5, $0x1;
	s8 =	sshrl.u32 s30, $0x2;
	s7 =	sshrl.u32 s7, $0x3  }
0xa: {  	s9 =	ssub.s32 s5, s31;
	s6 =	sadd.s32 s6, s4;
	s7 =	sadd.s32 s7, s4  }
0xb: {  	s4 =	sadd.s32 s8, s2;
	s5 =	sadd.s32 $0x2A00, s6;
	s6 =	sadd.s32 $0xCA00, s7  }
0xc: {  	s7 =	smax.u32 s9, $0x1;
	s8 =	sadd.s32 $0x4000, s4;
	s9 =	sadd.s32 $0x8000, s4  }
0xd: {  	v0 =	vimm.f32 $0.0e+00;
	v1 =	vimm.f32 $1.000000000e+00;
	s10 =	sadd.s32 $0xC000, s4;
	s11 =	sadd.s32 $0x10000, s4;
	s16 =	sshrl.u32 s4, $0x3  }
.LBB2_1:
0xe: {  	s17 =	simm.s32 $0x0;
	s18 =	simm.s32 $0x200  }
.LBB2_2:
0xf: {  	p0 =	sne.s32 s18, $0xFE00;
	[tilespmem:s17+$0x2870] =	vst v0  }
0x10: {  	[tilespmem:s17+$0x2800] =	vst v0  }
0x11: {  	[tilespmem:s17+$0x2810] =	vst v0  }
.Ltmp0:
0x12: {  	[tilespmem:s17+$0x2820] =	vst v0;
	(pc) =	sbr.rel @p0 .LBB2_2-.Ltmp0, $4  }
0x13: {  	[tilespmem:s17+$0x2830] =	vst v0  }
0x14: {  	[tilespmem:s17+$0x2840] =	vst v0  }
0x15: {  	[tilespmem:s17+$0x2850] =	vst v0  }
0x16: {  	[tilespmem:s17+$0x2860] =	vst v0;
	s17 =	sshra.s32 s18, $0x2;
	s18 =	sadd.s32 $0x200, s18  }
0x17: {  	[tilespmem:s17+$0x2870] =	vst v0  }
0x18: {  	[tilespmem:s17+$0x2800] =	vst v0  }
0x19: {  	[tilespmem:s17+$0x2810] =	vst v0  }
0x1a: {  	[tilespmem:s17+$0x2820] =	vst v0  }
0x1b: {  	[tilespmem:s17+$0x2830] =	vst v0  }
0x1c: {  	[tilespmem:s17+$0x2840] =	vst v0  }
0x1d: {  	[tilespmem:s17+$0x2850] =	vst v0  }
0x1e: {  	[tilespmem:s17+$0x2860] =	vst v0  }
0x1f: {  	[spmem:s4] =	stream.linear.scatter [tilespmem:s12], [sflag:$0x1], $0x4000, $0x38;
	[tilespmem:$0x1A800] =	vst v63  }
0x20: {  	_ =	swait.ge [sflag:s13], $0x4000  }
0x21: {  	[sflag:s13] =	ssyncset.done $0x0  }
0x22: {  	[sflag:s13] =	ssyncadd.s32 $0xFFFFC000  }
0x23: {  	[spmem:s8] =	stream.linear.scatter [tilespmem:s12], [sflag:$0x1], $0x4000, $0x38;
	[tilespmem:$0x1A800] =	vst v63  }
0x24: {  	_ =	swait.ge [sflag:s13], $0x4000  }
0x25: {  	[sflag:s13] =	ssyncset.done $0x0  }
0x26: {  	[sflag:s13] =	ssyncadd.s32 $0xFFFFC000  }
0x27: {  	[spmem:s9] =	stream.linear.scatter [tilespmem:s12], [sflag:$0x1], $0x4000, $0x38;
	[tilespmem:$0x1A800] =	vst v63  }
0x28: {  	_ =	swait.ge [sflag:s13], $0x4000  }
0x29: {  	[sflag:s13] =	ssyncset.done $0x0  }
0x2a: {  	[sflag:s13] =	ssyncadd.s32 $0xFFFFC000  }
0x2b: {  	[spmem:s10] =	stream.linear.scatter [tilespmem:s12], [sflag:$0x1], $0x4000, $0x38;
	[tilespmem:$0x1A800] =	vst v63  }
0x2c: {  	_ =	swait.ge [sflag:s13], $0x4000  }
0x2d: {  	[sflag:s13] =	ssyncset.done $0x0  }
0x2e: {  	[sflag:s13] =	ssyncadd.s32 $0xFFFFC000  }
0x2f: {  	[spmem:s11] =	stream.linear.scatter [tilespmem:s12], [sflag:$0x1], $0x4000, $0x38;
	[tilespmem:$0x1A800] =	vst v63  }
0x30: {  	_ =	swait.ge [sflag:s13], $0x4000  }
0x31: {  	[sflag:s13] =	ssyncset.done $0x0  }
0x32: {  	s17 =	simm.s32 $0x0;
	s18 =	simm.s32 $0x200;
	[sflag:s13] =	ssyncadd.s32 $0xFFFFC000  }
.LBB2_4:
0x33: {  	p0 =	sne.s32 s18, $0xFE00;
	[tilespmem:s17+$0x2870] =	vst v1  }
0x34: {  	[tilespmem:s17+$0x2800] =	vst v1  }
0x35: {  	[tilespmem:s17+$0x2810] =	vst v1  }
.Ltmp1:
0x36: {  	[tilespmem:s17+$0x2820] =	vst v1;
	(pc) =	sbr.rel @p0 .LBB2_4-.Ltmp1, $4  }
0x37: {  	[tilespmem:s17+$0x2830] =	vst v1  }
0x38: {  	[tilespmem:s17+$0x2840] =	vst v1  }
0x39: {  	[tilespmem:s17+$0x2850] =	vst v1  }
0x3a: {  	[tilespmem:s17+$0x2860] =	vst v1;
	s17 =	sshra.s32 s18, $0x2;
	s18 =	sadd.s32 $0x200, s18  }
0x3b: {  	[tilespmem:s17+$0x2870] =	vst v1  }
0x3c: {  	[tilespmem:s17+$0x2800] =	vst v1  }
0x3d: {  	[tilespmem:s17+$0x2810] =	vst v1  }
0x3e: {  	[tilespmem:s17+$0x2820] =	vst v1  }
0x3f: {  	[tilespmem:s17+$0x2830] =	vst v1  }
0x40: {  	[tilespmem:s17+$0x2840] =	vst v1  }
0x41: {  	[tilespmem:s17+$0x2850] =	vst v1  }
0x42: {  	[tilespmem:s17+$0x2860] =	vst v1  }
0x43: {  	s30 =	simm.s32 $0x0;
	[bflag:$0x0] =	sbarrier.arrive $0xFFFF  }
0x44: {  	[tilespmem:s30], [sflag:$0x1] =	stream.linear.gather [hbm4b:s5+s30], $0x2800, $0x38;
	[tilespmem:$0x1A800] =	vst v63  }
0x45: {  	_ =	swait.ge [sflag:s13], $0x2800  }
0x46: {  	[sflag:s13] =	ssyncset.done $0x0  }
0x47: {  	s31 =	simm.s32 $0x0;
	[sflag:s13] =	ssyncadd.s32 $0xFFFFD800  }
0x48: {  	[spmem:s2] =	stream.indirect.scatter.add.f32 [tilespmem:s12], [sflag:$0x1], $0x80, s31, s14, $0xb8;
	[tilespmem:$0x1A800] =	vst v63  }
0x49: {  	_ =	swait.ge [sflag:s13], $0x4000  }
0x4a: {  	s17 =	simm.s32 $0x200;
	[sflag:s13] =	ssyncset.done $0x0  }
.LBB2_6:
0x4b: {  	s18 =	sshra.s32 s17, $0x2;
	[sflag:s13] =	ssyncadd.s32 $0xFFFFC000;
	p0 =	sne.s32 s17, $0x9E00  }
0x4c: {  	[spmem:s2] =	stream.indirect.scatter.add.f32 [tilespmem:s12], [sflag:$0x1], $0x80, s18, s14, $0xb8;
	[tilespmem:$0x1A800] =	vst v63  }
.Ltmp2:
0x4d: {  	_ = 	snop;
	(pc) =	sbr.rel @p0 .LBB2_6-.Ltmp2, $4  }
0x4e: {  	_ = 	snop  }
0x4f: {  	s17 =	sadd.s32 $0x200, s17  }
0x50: {  	_ =	swait.ge [sflag:s13], $0x4000  }
0x51: {  	[sflag:s13] =	ssyncset.done $0x0  }
0x52: {  	s3 =	sadd.s32 $0x1, s3  }
0x53: {  	[sflag:s13] =	ssyncadd.s32 $0xFFFFC000;
	p0 =	sne.s32 s3, s7  }
.Ltmp3:
0x54: {  	[bflag:$0x0] =	sbarrier.arrive $0xFFFF;
	(pc) =	sbr.rel @p0 .LBB2_1-.Ltmp3, $4  }
0x55: {  	[hbm:s6], [sflag:s15] =	dma.local [spmem:s16], $0x2800  }
0x56: {  	_ =	swait.ge [sflag:s13], $0x2800  }
0x57: {  	[sflag:s13] =	ssyncset.done $0x0  }
0x58: {  	[sflag:s13] =	ssyncadd.s32 $0xFFFFD800  }
0x59: {  	_ =	sfence.sel $0x180000  }
0x5a: {  	[bflag:$0x0] =	sbarrier.arrive $0xFFFF  }
0x5b: {  	p0 =	sne.s32 s1, $0x0;
	_ =	strace $0x90000047  }
0x5c: {  	s0 =	sadd.s32 @!p0 $0x100000, s0;
	[bflag:$0x2] =	sbarrier.arrive $0xFFFF  }
0x5d: {  	[sflag:s0] =	ssyncadd.tile.s32 @!p0 $0x1;
	_ =	shalt  }
.Lfunc_end2:
_tile_overlayer_lowered:
.L_overlay_start_2:
0x5e: {  	(tag) =	ssettag $0x2  }
0x5f: {  	s0 =	rddreg [dreg:$0x0];
	s2 =	stileid.u32  }
0x60: {  	s1 =	rddreg [dreg:$0x1];
	p0 =	sne.s32 s2, $0x0  }
0x61: {  	s3 =	rddreg [dreg:$0x2];
	[bflag:$0x3] =	sbarrier.arrive $0xFFFF;
	s2 =	simm.s32 @!p0 $0x1C01  }
0x62: {  	[timem:s3], [sflag:s2] =	dma.local @!p0 [hbm:s0], s1  }
0x63: {  	s0 =	simm.s32 @!p0 $0x1  }
0x64: {  	_ =	swait.ge @!p0 [sflag:s0], s1  }
0x65: {  	s1 =	ssub.s32 @!p0 $0x0, s1;
	[sflag:s0] =	ssyncset.done @!p0 $0x0  }
0x66: {  	[sflag:s0] =	ssyncadd.s32 @!p0 s1  }
0x67: {  	[bflag:$0x3] =	sbarrier.arrive $0xFFFF  }
0x68: {  	_ =	shalt  }

</sc_bundles>
